<compile_context>
chip_gen: v7x
topology: tpu7x:2x2x1
jax: 0.10.2.dev20260603
libtpu: 0.0.44.dev20260713+nightly
codegen_flags: <defaults>
</compile_context>

<pallas_src>
import functools

import jax
import jax.numpy as jnp
from jax import lax
from jax.experimental import pallas as pl
from jax.experimental.pallas import tpu as pltpu, tpu_sc as plsc

MAX_SUBJECTS = 100000
EMBED_DIM = 64
BATCH = 16384

_info = plsc.get_sparse_core_info()
_NC, _NS = _info.num_cores, _info.num_subcores
_NW = _NC * _NS
_B_PER_W = BATCH // _NW

_mesh = plsc.VectorSubcoreMesh(core_axis_name="c", subcore_axis_name="s")


@functools.partial(
    pl.kernel,
    mesh=_mesh,
    out_type=jax.ShapeDtypeStruct((BATCH, EMBED_DIM), jnp.float32),
    scratch_types=[
        pltpu.VMEM((_B_PER_W,), jnp.int32),
        pltpu.VMEM((_B_PER_W, EMBED_DIM), jnp.float32),
        pltpu.SemaphoreType.DMA,
    ],
)
def _gather_kernel(idx_hbm, table_hbm, out_hbm, idx_vm, rows_v, gsem):
    wid = lax.axis_index("s") * _NC + lax.axis_index("c")
    base = wid * _B_PER_W
    pltpu.sync_copy(idx_hbm.at[pl.ds(base, _B_PER_W)], idx_vm)

    @plsc.parallel_loop(0, _B_PER_W // 16, unroll=4)
    def body(g):
        v = idx_vm[pl.ds(g * 16, 16)]
        for j in range(16):
            pltpu.async_copy(
                table_hbm.at[pl.ds(v[j], 1)],
                rows_v.at[pl.ds(g * 16 + j, 1)], gsem)

    pltpu.make_async_copy(
        table_hbm.at[pl.ds(0, _B_PER_W)], rows_v, gsem).wait()
    pltpu.sync_copy(rows_v, out_hbm.at[pl.ds(base, _B_PER_W)])


def kernel(subject_ids, embed_weight):
    return _gather_kernel(subject_ids.astype(jnp.int32), embed_weight)

# --- scband reference (transcript-rebuilt; emitter-appended) ---
"""Pipeline reference for scband-subject-embedding-45741401703009 (READ-ONLY COPY).

The authoritative reference and input builder live on the scoring server;
editing this copy changes nothing except your own understanding.
"""

import jax, jax.numpy as jnp
import numpy as np

MAX_SUBJECTS = 100000
EMBED_DIM = 64
BATCH = 16384

def setup_inputs(seed: int = 0) -> dict:
    key = jax.random.key(seed)
    k_idx, k_tab = jax.random.split(key)
    subject_ids = jax.random.randint(k_idx, (BATCH,), 0, MAX_SUBJECTS, dtype=jnp.int64 if jax.config.jax_enable_x64 else jnp.int32)
    # embedding table, initialized like nn.Embedding default: N(0, 1)
    embed_weight = jax.random.normal(k_tab, (MAX_SUBJECTS, EMBED_DIM), dtype=jnp.float32)
    return {"subject_ids": subject_ids, "embed_weight": embed_weight}

def reference(subject_ids, embed_weight):
    # nn.Embedding forward: row gather from the table
    return jnp.take(embed_weight, subject_ids, axis=0)

if __name__ == "__main__":
    import jax
    _d = setup_inputs()
    print(jax.jit(kernel)(*tuple(_d.values())))

</pallas_src>

<mosaic_0001>
#map = affine_map<(d0, d1) -> (0)>
#map1 = affine_map<(d0, d1) -> (0, 0)>
module attributes {stable_mosaic.version = 14 : i64} {
  func.func @_gather_kernel(%arg0: i32, %arg1: i32, %arg2: memref<16384xi32, #tpu.memory_space<hbm>>, %arg3: memref<100000x64xf32, #tpu.memory_space<hbm>>, %arg4: memref<16384x64xf32, #tpu.memory_space<hbm>>, %arg5: memref<512xi32, #tpu.memory_space<vmem>>, %arg6: memref<512x64xf32, #tpu.memory_space<vmem>>, %arg7: memref<!tpu.dma_semaphore, #tpu.memory_space<semaphore_mem>>) attributes {dimension_semantics = [#tpu.dimension_semantics<core_parallel>, #tpu.dimension_semantics<subcore_parallel>], iteration_bounds = array<i64: 2, 16>, scalar_prefetch = 0 : i64, scratch_operands = 3 : i64, tpu.core_type = #tpu.core_type<sc_vector_subcore>, window_params = [{transform_indices = #map}, {transform_indices = #map1}, {transform_indices = #map1}]} {
    %mul3A = arith.constant 2 : i32
    %mul3A_0 = arith.muli %arg1, %mul3A : i32
    %add3A = arith.addi %mul3A_0, %arg0 : i32
    %mul3A_1 = arith.constant 512 : i32
    %mul3A_2 = arith.muli %add3A, %mul3A_1 : i32
    "tpu.region"() ({
      %run_scoped3A = tpu.sem_alloc : memref<!tpu.dma_semaphore, #tpu.memory_space<semaphore_mem>>
      %dma_start3A = tpu.memref_slice %arg2[%mul3A_2] : memref<16384xi32, #tpu.memory_space<hbm>> -> memref<512xi32, #tpu.memory_space<hbm>>
      %dma_start3A_10 = tpu.memref_slice %arg2[%mul3A_2] : memref<16384xi32, #tpu.memory_space<hbm>> -> memref<512xi32, #tpu.memory_space<hbm>>
      tpu.enqueue_dma source(%dma_start3A_10 : memref<512xi32, #tpu.memory_space<hbm>>) target(%arg5 : memref<512xi32, #tpu.memory_space<vmem>>) target_semaphore(%run_scoped3A : memref<!tpu.dma_semaphore, #tpu.memory_space<semaphore_mem>>)
      %dma_wait3A_11 = tpu.memref_slice %arg2[%mul3A_2] : memref<16384xi32, #tpu.memory_space<hbm>> -> memref<512xi32, #tpu.memory_space<hbm>>
      %dma_wait3A_12 = tpu.memref_slice %arg2[%mul3A_2] : memref<16384xi32, #tpu.memory_space<hbm>> -> memref<512xi32, #tpu.memory_space<hbm>>
      tpu.wait_dma2 semaphore(%run_scoped3A : memref<!tpu.dma_semaphore, #tpu.memory_space<semaphore_mem>>) src(%dma_wait3A_12 : memref<512xi32, #tpu.memory_space<hbm>>) dst(%arg5 : memref<512xi32, #tpu.memory_space<vmem>>)
      tpu.yield
    }) : () -> ()
    %parallel_loop3A = arith.constant 0 : i32
    %parallel_loop3A_3 = arith.constant 32 : i32
    %parallel_loop3A_4 = arith.constant 1 : i32
    scf.for %parallel_loop3A_10 = %parallel_loop3A to %parallel_loop3A_3 step %parallel_loop3A_4  : i32 {
      %parallel_loop3A_11 = arith.constant 16 : i32
      %parallel_loop3A_12 = arith.muli %parallel_loop3A_10, %parallel_loop3A_11 : i32
      %parallel_loop3A_13 = arith.index_cast %parallel_loop3A_12 : i32 to index
      %parallel_loop3A_14 = tpu.vector_load %arg5[%parallel_loop3A_13] {strides = array<i32>} : memref<512xi32, #tpu.memory_space<vmem>>, vector<16xi32>,
      %parallel_loop3A_15 = vector.shape_cast %parallel_loop3A_14 : vector<16xi32> to vector<16xi32>
      %parallel_loop3A_16 = vector.extract_strided_slice %parallel_loop3A_15 {offsets = [0], sizes = [1], strides = [1]} : vector<16xi32> to vector<1xi32>
      %parallel_loop3A_17 = vector.extract %parallel_loop3A_16[0] : i32 from vector<1xi32>
      %parallel_loop3A_18 = arith.constant 16 : i32
      %parallel_loop3A_19 = arith.muli %parallel_loop3A_10, %parallel_loop3A_18 : i32
      %parallel_loop3A_20 = arith.constant 0 : i32
      %parallel_loop3A_21 = arith.addi %parallel_loop3A_19, %parallel_loop3A_20 : i32
      %parallel_loop3A_22 = arith.constant 0 : i32
      %parallel_loop3A_23 = tpu.memref_slice %arg6[%parallel_loop3A_21, %parallel_loop3A_22] : memref<512x64xf32, #tpu.memory_space<vmem>> -> memref<1x64xf32, #tpu.memory_space<vmem>>
      %parallel_loop3A_24 = arith.constant 0 : i32
      %parallel_loop3A_25 = tpu.memref_slice %arg3[%parallel_loop3A_17, %parallel_loop3A_24] : memref<100000x64xf32, #tpu.memory_space<hbm>> -> memref<1x64xf32, #tpu.memory_space<hbm>>
      %parallel_loop3A_26 = arith.constant 0 : i32
      %parallel_loop3A_27 = tpu.memref_slice %arg6[%parallel_loop3A_21, %parallel_loop3A_26] : memref<512x64xf32, #tpu.memory_space<vmem>> -> memref<1x64xf32, #tpu.memory_space<vmem>>
      %parallel_loop3A_28 = arith.constant 0 : i32
      %parallel_loop3A_29 = tpu.memref_slice %arg3[%parallel_loop3A_17, %parallel_loop3A_28] : memref<100000x64xf32, #tpu.memory_space<hbm>> -> memref<1x64xf32, #tpu.memory_space<hbm>>
      tpu.enqueue_dma source(%parallel_loop3A_29 : memref<1x64xf32, #tpu.memory_space<hbm>>) target(%parallel_loop3A_27 : memref<1x64xf32, #tpu.memory_space<vmem>>) target_semaphore(%arg7 : memref<!tpu.dma_semaphore, #tpu.memory_space<semaphore_mem>>)
      %parallel_loop3A_30 = vector.extract_strided_slice %parallel_loop3A_15 {offsets = [1], sizes = [1], strides = [1]} : vector<16xi32> to vector<1xi32>
      %parallel_loop3A_31 = vector.extract %parallel_loop3A_30[0] : i32 from vector<1xi32>
      %parallel_loop3A_32 = arith.constant 16 : i32
      %parallel_loop3A_33 = arith.muli %parallel_loop3A_10, %parallel_loop3A_32 : i32
      %parallel_loop3A_34 = arith.constant 1 : i32
      %parallel_loop3A_35 = arith.addi %parallel_loop3A_33, %parallel_loop3A_34 : i32
      %parallel_loop3A_36 = arith.constant 0 : i32
      %parallel_loop3A_37 = tpu.memref_slice %arg6[%parallel_loop3A_35, %parallel_loop3A_36] : memref<512x64xf32, #tpu.memory_space<vmem>> -> memref<1x64xf32, #tpu.memory_space<vmem>>
      %parallel_loop3A_38 = arith.constant 0 : i32
      %parallel_loop3A_39 = tpu.memref_slice %arg3[%parallel_loop3A_31, %parallel_loop3A_38] : memref<100000x64xf32, #tpu.memory_space<hbm>> -> memref<1x64xf32, #tpu.memory_space<hbm>>
      %parallel_loop3A_40 = arith.constant 0 : i32
      %parallel_loop3A_41 = tpu.memref_slice %arg6[%parallel_loop3A_35, %parallel_loop3A_40] : memref<512x64xf32, #tpu.memory_space<vmem>> -> memref<1x64xf32, #tpu.memory_space<vmem>>
      %parallel_loop3A_42 = arith.constant 0 : i32
      %parallel_loop3A_43 = tpu.memref_slice %arg3[%parallel_loop3A_31, %parallel_loop3A_42] : memref<100000x64xf32, #tpu.memory_space<hbm>> -> memref<1x64xf32, #tpu.memory_space<hbm>>
      tpu.enqueue_dma source(%parallel_loop3A_43 : memref<1x64xf32, #tpu.memory_space<hbm>>) target(%parallel_loop3A_41 : memref<1x64xf32, #tpu.memory_space<vmem>>) target_semaphore(%arg7 : memref<!tpu.dma_semaphore, #tpu.memory_space<semaphore_mem>>)
      %parallel_loop3A_44 = vector.extract_strided_slice %parallel_loop3A_15 {offsets = [2], sizes = [1], strides = [1]} : vector<16xi32> to vector<1xi32>
      %parallel_loop3A_45 = vector.extract %parallel_loop3A_44[0] : i32 from vector<1xi32>
      %parallel_loop3A_46 = arith.constant 16 : i32
      %parallel_loop3A_47 = arith.muli %parallel_loop3A_10, %parallel_loop3A_46 : i32
      %parallel_loop3A_48 = arith.constant 2 : i32
      %parallel_loop3A_49 = arith.addi %parallel_loop3A_47, %parallel_loop3A_48 : i32
      %parallel_loop3A_50 = arith.constant 0 : i32
      %parallel_loop3A_51 = tpu.memref_slice %arg6[%parallel_loop3A_49, %parallel_loop3A_50] : memref<512x64xf32, #tpu.memory_space<vmem>> -> memref<1x64xf32, #tpu.memory_space<vmem>>
      %parallel_loop3A_52 = arith.constant 0 : i32
      %parallel_loop3A_53 = tpu.memref_slice %arg3[%parallel_loop3A_45, %parallel_loop3A_52] : memref<100000x64xf32, #tpu.memory_space<hbm>> -> memref<1x64xf32, #tpu.memory_space<hbm>>
      %parallel_loop3A_54 = arith.constant 0 : i32
      %parallel_loop3A_55 = tpu.memref_slice %arg6[%parallel_loop3A_49, %parallel_loop3A_54] : memref<512x64xf32, #tpu.memory_space<vmem>> -> memref<1x64xf32, #tpu.memory_space<vmem>>
      %parallel_loop3A_56 = arith.constant 0 : i32
      %parallel_loop3A_57 = tpu.memref_slice %arg3[%parallel_loop3A_45, %parallel_loop3A_56] : memref<100000x64xf32, #tpu.memory_space<hbm>> -> memref<1x64xf32, #tpu.memory_space<hbm>>
      tpu.enqueue_dma source(%parallel_loop3A_57 : memref<1x64xf32, #tpu.memory_space<hbm>>) target(%parallel_loop3A_55 : memref<1x64xf32, #tpu.memory_space<vmem>>) target_semaphore(%arg7 : memref<!tpu.dma_semaphore, #tpu.memory_space<semaphore_mem>>)
      %parallel_loop3A_58 = vector.extract_strided_slice %parallel_loop3A_15 {offsets = [3], sizes = [1], strides = [1]} : vector<16xi32> to vector<1xi32>
      %parallel_loop3A_59 = vector.extract %parallel_loop3A_58[0] : i32 from vector<1xi32>
      %parallel_loop3A_60 = arith.constant 16 : i32
      %parallel_loop3A_61 = arith.muli %parallel_loop3A_10, %parallel_loop3A_60 : i32
      %parallel_loop3A_62 = arith.constant 3 : i32
      %parallel_loop3A_63 = arith.addi %parallel_loop3A_61, %parallel_loop3A_62 : i32
      %parallel_loop3A_64 = arith.constant 0 : i32
      %parallel_loop3A_65 = tpu.memref_slice %arg6[%parallel_loop3A_63, %parallel_loop3A_64] : memref<512x64xf32, #tpu.memory_space<vmem>> -> memref<1x64xf32, #tpu.memory_space<vmem>>
      %parallel_loop3A_66 = arith.constant 0 : i32
      %parallel_loop3A_67 = tpu.memref_slice %arg3[%parallel_loop3A_59, %parallel_loop3A_66] : memref<100000x64xf32, #tpu.memory_space<hbm>> -> memref<1x64xf32, #tpu.memory_space<hbm>>
      %parallel_loop3A_68 = arith.constant 0 : i32
      %parallel_loop3A_69 = tpu.memref_slice %arg6[%parallel_loop3A_63, %parallel_loop3A_68] : memref<512x64xf32, #tpu.memory_space<vmem>> -> memref<1x64xf32, #tpu.memory_space<vmem>>
      %parallel_loop3A_70 = arith.constant 0 : i32
      %parallel_loop3A_71 = tpu.memref_slice %arg3[%parallel_loop3A_59, %parallel_loop3A_70] : memref<100000x64xf32, #tpu.memory_space<hbm>> -> memref<1x64xf32, #tpu.memory_space<hbm>>
      tpu.enqueue_dma source(%parallel_loop3A_71 : memref<1x64xf32, #tpu.memory_space<hbm>>) target(%parallel_loop3A_69 : memref<1x64xf32, #tpu.memory_space<vmem>>) target_semaphore(%arg7 : memref<!tpu.dma_semaphore, #tpu.memory_space<semaphore_mem>>)
      %parallel_loop3A_72 = vector.extract_strided_slice %parallel_loop3A_15 {offsets = [4], sizes = [1], strides = [1]} : vector<16xi32> to vector<1xi32>
      %parallel_loop3A_73 = vector.extract %parallel_loop3A_72[0] : i32 from vector<1xi32>
      %parallel_loop3A_74 = arith.constant 16 : i32
      %parallel_loop3A_75 = arith.muli %parallel_loop3A_10, %parallel_loop3A_74 : i32
      %parallel_loop3A_76 = arith.constant 4 : i32
      %parallel_loop3A_77 = arith.addi %parallel_loop3A_75, %parallel_loop3A_76 : i32
      %parallel_loop3A_78 = arith.constant 0 : i32
      %parallel_loop3A_79 = tpu.memref_slice %arg6[%parallel_loop3A_77, %parallel_loop3A_78] : memref<512x64xf32, #tpu.memory_space<vmem>> -> memref<1x64xf32, #tpu.memory_space<vmem>>
      %parallel_loop3A_80 = arith.constant 0 : i32
      %parallel_loop3A_81 = tpu.memref_slice %arg3[%parallel_loop3A_73, %parallel_loop3A_80] : memref<100000x64xf32, #tpu.memory_space<hbm>> -> memref<1x64xf32, #tpu.memory_space<hbm>>
      %parallel_loop3A_82 = arith.constant 0 : i32
      %parallel_loop3A_83 = tpu.memref_slice %arg6[%parallel_loop3A_77, %parallel_loop3A_82] : memref<512x64xf32, #tpu.memory_space<vmem>> -> memref<1x64xf32, #tpu.memory_space<vmem>>
      %parallel_loop3A_84 = arith.constant 0 : i32
      %parallel_loop3A_85 = tpu.memref_slice %arg3[%parallel_loop3A_73, %parallel_loop3A_84] : memref<100000x64xf32, #tpu.memory_space<hbm>> -> memref<1x64xf32, #tpu.memory_space<hbm>>
      tpu.enqueue_dma source(%parallel_loop3A_85 : memref<1x64xf32, #tpu.memory_space<hbm>>) target(%parallel_loop3A_83 : memref<1x64xf32, #tpu.memory_space<vmem>>) target_semaphore(%arg7 : memref<!tpu.dma_semaphore, #tpu.memory_space<semaphore_mem>>)
      %parallel_loop3A_86 = vector.extract_strided_slice %parallel_loop3A_15 {offsets = [5], sizes = [1], strides = [1]} : vector<16xi32> to vector<1xi32>
      %parallel_loop3A_87 = vector.extract %parallel_loop3A_86[0] : i32 from vector<1xi32>
      %parallel_loop3A_88 = arith.constant 16 : i32
      %parallel_loop3A_89 = arith.muli %parallel_loop3A_10, %parallel_loop3A_88 : i32
      %parallel_loop3A_90 = arith.constant 5 : i32
      %parallel_loop3A_91 = arith.addi %parallel_loop3A_89, %parallel_loop3A_90 : i32
      %parallel_loop3A_92 = arith.constant 0 : i32
      %parallel_loop3A_93 = tpu.memref_slice %arg6[%parallel_loop3A_91, %parallel_loop3A_92] : memref<512x64xf32, #tpu.memory_space<vmem>> -> memref<1x64xf32, #tpu.memory_space<vmem>>
      %parallel_loop3A_94 = arith.constant 0 : i32
      %parallel_loop3A_95 = tpu.memref_slice %arg3[%parallel_loop3A_87, %parallel_loop3A_94] : memref<100000x64xf32, #tpu.memory_space<hbm>> -> memref<1x64xf32, #tpu.memory_space<hbm>>
      %parallel_loop3A_96 = arith.constant 0 : i32
      %parallel_loop3A_97 = tpu.memref_slice %arg6[%parallel_loop3A_91, %parallel_loop3A_96] : memref<512x64xf32, #tpu.memory_space<vmem>> -> memref<1x64xf32, #tpu.memory_space<vmem>>
      %parallel_loop3A_98 = arith.constant 0 : i32
      %parallel_loop3A_99 = tpu.memref_slice %arg3[%parallel_loop3A_87, %parallel_loop3A_98] : memref<100000x64xf32, #tpu.memory_space<hbm>> -> memref<1x64xf32, #tpu.memory_space<hbm>>
      tpu.enqueue_dma source(%parallel_loop3A_99 : memref<1x64xf32, #tpu.memory_space<hbm>>) target(%parallel_loop3A_97 : memref<1x64xf32, #tpu.memory_space<vmem>>) target_semaphore(%arg7 : memref<!tpu.dma_semaphore, #tpu.memory_space<semaphore_mem>>)
      %parallel_loop3A_100 = vector.extract_strided_slice %parallel_loop3A_15 {offsets = [6], sizes = [1], strides = [1]} : vector<16xi32> to vector<1xi32>
      %parallel_loop3A_101 = vector.extract %parallel_loop3A_100[0] : i32 from vector<1xi32>
      %parallel_loop3A_102 = arith.constant 16 : i32
      %parallel_loop3A_103 = arith.muli %parallel_loop3A_10, %parallel_loop3A_102 : i32
      %parallel_loop3A_104 = arith.constant 6 : i32
      %parallel_loop3A_105 = arith.addi %parallel_loop3A_103, %parallel_loop3A_104 : i32
      %parallel_loop3A_106 = arith.constant 0 : i32
      %parallel_loop3A_107 = tpu.memref_slice %arg6[%parallel_loop3A_105, %parallel_loop3A_106] : memref<512x64xf32, #tpu.memory_space<vmem>> -> memref<1x64xf32, #tpu.memory_space<vmem>>
      %parallel_loop3A_108 = arith.constant 0 : i32
      %parallel_loop3A_109 = tpu.memref_slice %arg3[%parallel_loop3A_101, %parallel_loop3A_108] : memref<100000x64xf32, #tpu.memory_space<hbm>> -> memref<1x64xf32, #tpu.memory_space<hbm>>
      %parallel_loop3A_110 = arith.constant 0 : i32
      %parallel_loop3A_111 = tpu.memref_slice %arg6[%parallel_loop3A_105, %parallel_loop3A_110] : memref<512x64xf32, #tpu.memory_space<vmem>> -> memref<1x64xf32, #tpu.memory_space<vmem>>
      %parallel_loop3A_112 = arith.constant 0 : i32
      %parallel_loop3A_113 = tpu.memref_slice %arg3[%parallel_loop3A_101, %parallel_loop3A_112] : memref<100000x64xf32, #tpu.memory_space<hbm>> -> memref<1x64xf32, #tpu.memory_space<hbm>>
      tpu.enqueue_dma source(%parallel_loop3A_113 : memref<1x64xf32, #tpu.memory_space<hbm>>) target(%parallel_loop3A_111 : memref<1x64xf32, #tpu.memory_space<vmem>>) target_semaphore(%arg7 : memref<!tpu.dma_semaphore, #tpu.memory_space<semaphore_mem>>)
      %parallel_loop3A_114 = vector.extract_strided_slice %parallel_loop3A_15 {offsets = [7], sizes = [1], strides = [1]} : vector<16xi32> to vector<1xi32>
      %parallel_loop3A_115 = vector.extract %parallel_loop3A_114[0] : i32 from vector<1xi32>
      %parallel_loop3A_116 = arith.constant 16 : i32
      %parallel_loop3A_117 = arith.muli %parallel_loop3A_10, %parallel_loop3A_116 : i32
      %parallel_loop3A_118 = arith.constant 7 : i32
      %parallel_loop3A_119 = arith.addi %parallel_loop3A_117, %parallel_loop3A_118 : i32
      %parallel_loop3A_120 = arith.constant 0 : i32
      %parallel_loop3A_121 = tpu.memref_slice %arg6[%parallel_loop3A_119, %parallel_loop3A_120] : memref<512x64xf32, #tpu.memory_space<vmem>> -> memref<1x64xf32, #tpu.memory_space<vmem>>
      %parallel_loop3A_122 = arith.constant 0 : i32
      %parallel_loop3A_123 = tpu.memref_slice %arg3[%parallel_loop3A_115, %parallel_loop3A_122] : memref<100000x64xf32, #tpu.memory_space<hbm>> -> memref<1x64xf32, #tpu.memory_space<hbm>>
      %parallel_loop3A_124 = arith.constant 0 : i32
      %parallel_loop3A_125 = tpu.memref_slice %arg6[%parallel_loop3A_119, %parallel_loop3A_124] : memref<512x64xf32, #tpu.memory_space<vmem>> -> memref<1x64xf32, #tpu.memory_space<vmem>>
      %parallel_loop3A_126 = arith.constant 0 : i32
      %parallel_loop3A_127 = tpu.memref_slice %arg3[%parallel_loop3A_115, %parallel_loop3A_126] : memref<100000x64xf32, #tpu.memory_space<hbm>> -> memref<1x64xf32, #tpu.memory_space<hbm>>
      tpu.enqueue_dma source(%parallel_loop3A_127 : memref<1x64xf32, #tpu.memory_space<hbm>>) target(%parallel_loop3A_125 : memref<1x64xf32, #tpu.memory_space<vmem>>) target_semaphore(%arg7 : memref<!tpu.dma_semaphore, #tpu.memory_space<semaphore_mem>>)
      %parallel_loop3A_128 = vector.extract_strided_slice %parallel_loop3A_15 {offsets = [8], sizes = [1], strides = [1]} : vector<16xi32> to vector<1xi32>
      %parallel_loop3A_129 = vector.extract %parallel_loop3A_128[0] : i32 from vector<1xi32>
      %parallel_loop3A_130 = arith.constant 16 : i32
      %parallel_loop3A_131 = arith.muli %parallel_loop3A_10, %parallel_loop3A_130 : i32
      %parallel_loop3A_132 = arith.constant 8 : i32
      %parallel_loop3A_133 = arith.addi %parallel_loop3A_131, %parallel_loop3A_132 : i32
      %parallel_loop3A_134 = arith.constant 0 : i32
      %parallel_loop3A_135 = tpu.memref_slice %arg6[%parallel_loop3A_133, %parallel_loop3A_134] : memref<512x64xf32, #tpu.memory_space<vmem>> -> memref<1x64xf32, #tpu.memory_space<vmem>>
      %parallel_loop3A_136 = arith.constant 0 : i32
      %parallel_loop3A_137 = tpu.memref_slice %arg3[%parallel_loop3A_129, %parallel_loop3A_136] : memref<100000x64xf32, #tpu.memory_space<hbm>> -> memref<1x64xf32, #tpu.memory_space<hbm>>
      %parallel_loop3A_138 = arith.constant 0 : i32
      %parallel_loop3A_139 = tpu.memref_slice %arg6[%parallel_loop3A_133, %parallel_loop3A_138] : memref<512x64xf32, #tpu.memory_space<vmem>> -> memref<1x64xf32, #tpu.memory_space<vmem>>
      %parallel_loop3A_140 = arith.constant 0 : i32
      %parallel_loop3A_141 = tpu.memref_slice %arg3[%parallel_loop3A_129, %parallel_loop3A_140] : memref<100000x64xf32, #tpu.memory_space<hbm>> -> memref<1x64xf32, #tpu.memory_space<hbm>>
      tpu.enqueue_dma source(%parallel_loop3A_141 : memref<1x64xf32, #tpu.memory_space<hbm>>) target(%parallel_loop3A_139 : memref<1x64xf32, #tpu.memory_space<vmem>>) target_semaphore(%arg7 : memref<!tpu.dma_semaphore, #tpu.memory_space<semaphore_mem>>)
      %parallel_loop3A_142 = vector.extract_strided_slice %parallel_loop3A_15 {offsets = [9], sizes = [1], strides = [1]} : vector<16xi32> to vector<1xi32>
      %parallel_loop3A_143 = vector.extract %parallel_loop3A_142[0] : i32 from vector<1xi32>
      %parallel_loop3A_144 = arith.constant 16 : i32
      %parallel_loop3A_145 = arith.muli %parallel_loop3A_10, %parallel_loop3A_144 : i32
      %parallel_loop3A_146 = arith.constant 9 : i32
      %parallel_loop3A_147 = arith.addi %parallel_loop3A_145, %parallel_loop3A_146 : i32
      %parallel_loop3A_148 = arith.constant 0 : i32
      %parallel_loop3A_149 = tpu.memref_slice %arg6[%parallel_loop3A_147, %parallel_loop3A_148] : memref<512x64xf32, #tpu.memory_space<vmem>> -> memref<1x64xf32, #tpu.memory_space<vmem>>
      %parallel_loop3A_150 = arith.constant 0 : i32
      %parallel_loop3A_151 = tpu.memref_slice %arg3[%parallel_loop3A_143, %parallel_loop3A_150] : memref<100000x64xf32, #tpu.memory_space<hbm>> -> memref<1x64xf32, #tpu.memory_space<hbm>>
      %parallel_loop3A_152 = arith.constant 0 : i32
      %parallel_loop3A_153 = tpu.memref_slice %arg6[%parallel_loop3A_147, %parallel_loop3A_152] : memref<512x64xf32, #tpu.memory_space<vmem>> -> memref<1x64xf32, #tpu.memory_space<vmem>>
      %parallel_loop3A_154 = arith.constant 0 : i32
      %parallel_loop3A_155 = tpu.memref_slice %arg3[%parallel_loop3A_143, %parallel_loop3A_154] : memref<100000x64xf32, #tpu.memory_space<hbm>> -> memref<1x64xf32, #tpu.memory_space<hbm>>
      tpu.enqueue_dma source(%parallel_loop3A_155 : memref<1x64xf32, #tpu.memory_space<hbm>>) target(%parallel_loop3A_153 : memref<1x64xf32, #tpu.memory_space<vmem>>) target_semaphore(%arg7 : memref<!tpu.dma_semaphore, #tpu.memory_space<semaphore_mem>>)
      %parallel_loop3A_156 = vector.extract_strided_slice %parallel_loop3A_15 {offsets = [10], sizes = [1], strides = [1]} : vector<16xi32> to vector<1xi32>
      %parallel_loop3A_157 = vector.extract %parallel_loop3A_156[0] : i32 from vector<1xi32>
      %parallel_loop3A_158 = arith.constant 16 : i32
      %parallel_loop3A_159 = arith.muli %parallel_loop3A_10, %parallel_loop3A_158 : i32
      %parallel_loop3A_160 = arith.constant 10 : i32
      %parallel_loop3A_161 = arith.addi %parallel_loop3A_159, %parallel_loop3A_160 : i32
      %parallel_loop3A_162 = arith.constant 0 : i32
      %parallel_loop3A_163 = tpu.memref_slice %arg6[%parallel_loop3A_161, %parallel_loop3A_162] : memref<512x64xf32, #tpu.memory_space<vmem>> -> memref<1x64xf32, #tpu.memory_space<vmem>>
      %parallel_loop3A_164 = arith.constant 0 : i32
      %parallel_loop3A_165 = tpu.memref_slice %arg3[%parallel_loop3A_157, %parallel_loop3A_164] : memref<100000x64xf32, #tpu.memory_space<hbm>> -> memref<1x64xf32, #tpu.memory_space<hbm>>
      %parallel_loop3A_166 = arith.constant 0 : i32
      %parallel_loop3A_167 = tpu.memref_slice %arg6[%parallel_loop3A_161, %parallel_loop3A_166] : memref<512x64xf32, #tpu.memory_space<vmem>> -> memref<1x64xf32, #tpu.memory_space<vmem>>
      %parallel_loop3A_168 = arith.constant 0 : i32
      %parallel_loop3A_169 = tpu.memref_slice %arg3[%parallel_loop3A_157, %parallel_loop3A_168] : memref<100000x64xf32, #tpu.memory_space<hbm>> -> memref<1x64xf32, #tpu.memory_space<hbm>>
      tpu.enqueue_dma source(%parallel_loop3A_169 : memref<1x64xf32, #tpu.memory_space<hbm>>) target(%parallel_loop3A_167 : memref<1x64xf32, #tpu.memory_space<vmem>>) target_semaphore(%arg7 : memref<!tpu.dma_semaphore, #tpu.memory_space<semaphore_mem>>)
      %parallel_loop3A_170 = vector.extract_strided_slice %parallel_loop3A_15 {offsets = [11], sizes = [1], strides = [1]} : vector<16xi32> to vector<1xi32>
      %parallel_loop3A_171 = vector.extract %parallel_loop3A_170[0] : i32 from vector<1xi32>
      %parallel_loop3A_172 = arith.constant 16 : i32
      %parallel_loop3A_173 = arith.muli %parallel_loop3A_10, %parallel_loop3A_172 : i32
      %parallel_loop3A_174 = arith.constant 11 : i32
      %parallel_loop3A_175 = arith.addi %parallel_loop3A_173, %parallel_loop3A_174 : i32
      %parallel_loop3A_176 = arith.constant 0 : i32
      %parallel_loop3A_177 = tpu.memref_slice %arg6[%parallel_loop3A_175, %parallel_loop3A_176] : memref<512x64xf32, #tpu.memory_space<vmem>> -> memref<1x64xf32, #tpu.memory_space<vmem>>
      %parallel_loop3A_178 = arith.constant 0 : i32
      %parallel_loop3A_179 = tpu.memref_slice %arg3[%parallel_loop3A_171, %parallel_loop3A_178] : memref<100000x64xf32, #tpu.memory_space<hbm>> -> memref<1x64xf32, #tpu.memory_space<hbm>>
      %parallel_loop3A_180 = arith.constant 0 : i32
      %parallel_loop3A_181 = tpu.memref_slice %arg6[%parallel_loop3A_175, %parallel_loop3A_180] : memref<512x64xf32, #tpu.memory_space<vmem>> -> memref<1x64xf32, #tpu.memory_space<vmem>>
      %parallel_loop3A_182 = arith.constant 0 : i32
      %parallel_loop3A_183 = tpu.memref_slice %arg3[%parallel_loop3A_171, %parallel_loop3A_182] : memref<100000x64xf32, #tpu.memory_space<hbm>> -> memref<1x64xf32, #tpu.memory_space<hbm>>
      tpu.enqueue_dma source(%parallel_loop3A_183 : memref<1x64xf32, #tpu.memory_space<hbm>>) target(%parallel_loop3A_181 : memref<1x64xf32, #tpu.memory_space<vmem>>) target_semaphore(%arg7 : memref<!tpu.dma_semaphore, #tpu.memory_space<semaphore_mem>>)
      %parallel_loop3A_184 = vector.extract_strided_slice %parallel_loop3A_15 {offsets = [12], sizes = [1], strides = [1]} : vector<16xi32> to vector<1xi32>
      %parallel_loop3A_185 = vector.extract %parallel_loop3A_184[0] : i32 from vector<1xi32>
      %parallel_loop3A_186 = arith.constant 16 : i32
      %parallel_loop3A_187 = arith.muli %parallel_loop3A_10, %parallel_loop3A_186 : i32
      %parallel_loop3A_188 = arith.constant 12 : i32
      %parallel_loop3A_189 = arith.addi %parallel_loop3A_187, %parallel_loop3A_188 : i32
      %parallel_loop3A_190 = arith.constant 0 : i32
      %parallel_loop3A_191 = tpu.memref_slice %arg6[%parallel_loop3A_189, %parallel_loop3A_190] : memref<512x64xf32, #tpu.memory_space<vmem>> -> memref<1x64xf32, #tpu.memory_space<vmem>>
      %parallel_loop3A_192 = arith.constant 0 : i32
      %parallel_loop3A_193 = tpu.memref_slice %arg3[%parallel_loop3A_185, %parallel_loop3A_192] : memref<100000x64xf32, #tpu.memory_space<hbm>> -> memref<1x64xf32, #tpu.memory_space<hbm>>
      %parallel_loop3A_194 = arith.constant 0 : i32
      %parallel_loop3A_195 = tpu.memref_slice %arg6[%parallel_loop3A_189, %parallel_loop3A_194] : memref<512x64xf32, #tpu.memory_space<vmem>> -> memref<1x64xf32, #tpu.memory_space<vmem>>
      %parallel_loop3A_196 = arith.constant 0 : i32
      %parallel_loop3A_197 = tpu.memref_slice %arg3[%parallel_loop3A_185, %parallel_loop3A_196] : memref<100000x64xf32, #tpu.memory_space<hbm>> -> memref<1x64xf32, #tpu.memory_space<hbm>>
      tpu.enqueue_dma source(%parallel_loop3A_197 : memref<1x64xf32, #tpu.memory_space<hbm>>) target(%parallel_loop3A_195 : memref<1x64xf32, #tpu.memory_space<vmem>>) target_semaphore(%arg7 : memref<!tpu.dma_semaphore, #tpu.memory_space<semaphore_mem>>)
      %parallel_loop3A_198 = vector.extract_strided_slice %parallel_loop3A_15 {offsets = [13], sizes = [1], strides = [1]} : vector<16xi32> to vector<1xi32>
      %parallel_loop3A_199 = vector.extract %parallel_loop3A_198[0] : i32 from vector<1xi32>
      %parallel_loop3A_200 = arith.constant 16 : i32
      %parallel_loop3A_201 = arith.muli %parallel_loop3A_10, %parallel_loop3A_200 : i32
      %parallel_loop3A_202 = arith.constant 13 : i32
      %parallel_loop3A_203 = arith.addi %parallel_loop3A_201, %parallel_loop3A_202 : i32
      %parallel_loop3A_204 = arith.constant 0 : i32
      %parallel_loop3A_205 = tpu.memref_slice %arg6[%parallel_loop3A_203, %parallel_loop3A_204] : memref<512x64xf32, #tpu.memory_space<vmem>> -> memref<1x64xf32, #tpu.memory_space<vmem>>
      %parallel_loop3A_206 = arith.constant 0 : i32
      %parallel_loop3A_207 = tpu.memref_slice %arg3[%parallel_loop3A_199, %parallel_loop3A_206] : memref<100000x64xf32, #tpu.memory_space<hbm>> -> memref<1x64xf32, #tpu.memory_space<hbm>>
      %parallel_loop3A_208 = arith.constant 0 : i32
      %parallel_loop3A_209 = tpu.memref_slice %arg6[%parallel_loop3A_203, %parallel_loop3A_208] : memref<512x64xf32, #tpu.memory_space<vmem>> -> memref<1x64xf32, #tpu.memory_space<vmem>>
      %parallel_loop3A_210 = arith.constant 0 : i32
      %parallel_loop3A_211 = tpu.memref_slice %arg3[%parallel_loop3A_199, %parallel_loop3A_210] : memref<100000x64xf32, #tpu.memory_space<hbm>> -> memref<1x64xf32, #tpu.memory_space<hbm>>
      tpu.enqueue_dma source(%parallel_loop3A_211 : memref<1x64xf32, #tpu.memory_space<hbm>>) target(%parallel_loop3A_209 : memref<1x64xf32, #tpu.memory_space<vmem>>) target_semaphore(%arg7 : memref<!tpu.dma_semaphore, #tpu.memory_space<semaphore_mem>>)
      %parallel_loop3A_212 = vector.extract_strided_slice %parallel_loop3A_15 {offsets = [14], sizes = [1], strides = [1]} : vector<16xi32> to vector<1xi32>
      %parallel_loop3A_213 = vector.extract %parallel_loop3A_212[0] : i32 from vector<1xi32>
      %parallel_loop3A_214 = arith.constant 16 : i32
      %parallel_loop3A_215 = arith.muli %parallel_loop3A_10, %parallel_loop3A_214 : i32
      %parallel_loop3A_216 = arith.constant 14 : i32
      %parallel_loop3A_217 = arith.addi %parallel_loop3A_215, %parallel_loop3A_216 : i32
      %parallel_loop3A_218 = arith.constant 0 : i32
      %parallel_loop3A_219 = tpu.memref_slice %arg6[%parallel_loop3A_217, %parallel_loop3A_218] : memref<512x64xf32, #tpu.memory_space<vmem>> -> memref<1x64xf32, #tpu.memory_space<vmem>>
      %parallel_loop3A_220 = arith.constant 0 : i32
      %parallel_loop3A_221 = tpu.memref_slice %arg3[%parallel_loop3A_213, %parallel_loop3A_220] : memref<100000x64xf32, #tpu.memory_space<hbm>> -> memref<1x64xf32, #tpu.memory_space<hbm>>
      %parallel_loop3A_222 = arith.constant 0 : i32
      %parallel_loop3A_223 = tpu.memref_slice %arg6[%parallel_loop3A_217, %parallel_loop3A_222] : memref<512x64xf32, #tpu.memory_space<vmem>> -> memref<1x64xf32, #tpu.memory_space<vmem>>
      %parallel_loop3A_224 = arith.constant 0 : i32
      %parallel_loop3A_225 = tpu.memref_slice %arg3[%parallel_loop3A_213, %parallel_loop3A_224] : memref<100000x64xf32, #tpu.memory_space<hbm>> -> memref<1x64xf32, #tpu.memory_space<hbm>>
      tpu.enqueue_dma source(%parallel_loop3A_225 : memref<1x64xf32, #tpu.memory_space<hbm>>) target(%parallel_loop3A_223 : memref<1x64xf32, #tpu.memory_space<vmem>>) target_semaphore(%arg7 : memref<!tpu.dma_semaphore, #tpu.memory_space<semaphore_mem>>)
      %parallel_loop3A_226 = vector.extract_strided_slice %parallel_loop3A_15 {offsets = [15], sizes = [1], strides = [1]} : vector<16xi32> to vector<1xi32>
      %parallel_loop3A_227 = vector.extract %parallel_loop3A_226[0] : i32 from vector<1xi32>
      %parallel_loop3A_228 = arith.constant 16 : i32
      %parallel_loop3A_229 = arith.muli %parallel_loop3A_10, %parallel_loop3A_228 : i32
      %parallel_loop3A_230 = arith.constant 15 : i32
      %parallel_loop3A_231 = arith.addi %parallel_loop3A_229, %parallel_loop3A_230 : i32
      %parallel_loop3A_232 = arith.constant 0 : i32
      %parallel_loop3A_233 = tpu.memref_slice %arg6[%parallel_loop3A_231, %parallel_loop3A_232] : memref<512x64xf32, #tpu.memory_space<vmem>> -> memref<1x64xf32, #tpu.memory_space<vmem>>
      %parallel_loop3A_234 = arith.constant 0 : i32
      %parallel_loop3A_235 = tpu.memref_slice %arg3[%parallel_loop3A_227, %parallel_loop3A_234] : memref<100000x64xf32, #tpu.memory_space<hbm>> -> memref<1x64xf32, #tpu.memory_space<hbm>>
      %parallel_loop3A_236 = arith.constant 0 : i32
      %parallel_loop3A_237 = tpu.memref_slice %arg6[%parallel_loop3A_231, %parallel_loop3A_236] : memref<512x64xf32, #tpu.memory_space<vmem>> -> memref<1x64xf32, #tpu.memory_space<vmem>>
      %parallel_loop3A_238 = arith.constant 0 : i32
      %parallel_loop3A_239 = tpu.memref_slice %arg3[%parallel_loop3A_227, %parallel_loop3A_238] : memref<100000x64xf32, #tpu.memory_space<hbm>> -> memref<1x64xf32, #tpu.memory_space<hbm>>
      tpu.enqueue_dma source(%parallel_loop3A_239 : memref<1x64xf32, #tpu.memory_space<hbm>>) target(%parallel_loop3A_237 : memref<1x64xf32, #tpu.memory_space<vmem>>) target_semaphore(%arg7 : memref<!tpu.dma_semaphore, #tpu.memory_space<semaphore_mem>>)
    } {sc.loop_unroll_factor = 4 : i64, sc.parallel_access}
    %dma_wait3A = arith.constant 0 : i32
    %dma_wait3A_5 = arith.constant 0 : i32
    %dma_wait3A_6 = tpu.memref_slice %arg3[%dma_wait3A, %dma_wait3A_5] : memref<100000x64xf32, #tpu.memory_space<hbm>> -> memref<512x64xf32, #tpu.memory_space<hbm>>
    %dma_wait3A_7 = arith.constant 0 : i32
    %dma_wait3A_8 = arith.constant 0 : i32
    %dma_wait3A_9 = tpu.memref_slice %arg3[%dma_wait3A_7, %dma_wait3A_8] : memref<100000x64xf32, #tpu.memory_space<hbm>> -> memref<512x64xf32, #tpu.memory_space<hbm>>
    tpu.wait_dma2 semaphore(%arg7 : memref<!tpu.dma_semaphore, #tpu.memory_space<semaphore_mem>>) src(%dma_wait3A_9 : memref<512x64xf32, #tpu.memory_space<hbm>>) dst(%arg6 : memref<512x64xf32, #tpu.memory_space<vmem>>)
    "tpu.region"() ({
      %run_scoped3A = tpu.sem_alloc : memref<!tpu.dma_semaphore, #tpu.memory_space<semaphore_mem>>
      %dma_start3A = arith.constant 0 : i32
      %dma_start3A_10 = tpu.memref_slice %arg4[%mul3A_2, %dma_start3A] : memref<16384x64xf32, #tpu.memory_space<hbm>> -> memref<512x64xf32, #tpu.memory_space<hbm>>
      %dma_start3A_11 = arith.constant 0 : i32
      %dma_start3A_12 = tpu.memref_slice %arg4[%mul3A_2, %dma_start3A_11] : memref<16384x64xf32, #tpu.memory_space<hbm>> -> memref<512x64xf32, #tpu.memory_space<hbm>>
      tpu.enqueue_dma source(%arg6 : memref<512x64xf32, #tpu.memory_space<vmem>>) target(%dma_start3A_12 : memref<512x64xf32, #tpu.memory_space<hbm>>) target_semaphore(%run_scoped3A : memref<!tpu.dma_semaphore, #tpu.memory_space<semaphore_mem>>)
      %dma_wait3A_13 = arith.constant 0 : i32
      %dma_wait3A_14 = tpu.memref_slice %arg4[%mul3A_2, %dma_wait3A_13] : memref<16384x64xf32, #tpu.memory_space<hbm>> -> memref<512x64xf32, #tpu.memory_space<hbm>>
      %dma_wait3A_15 = arith.constant 0 : i32
      %dma_wait3A_16 = tpu.memref_slice %arg4[%mul3A_2, %dma_wait3A_15] : memref<16384x64xf32, #tpu.memory_space<hbm>> -> memref<512x64xf32, #tpu.memory_space<hbm>>
      tpu.wait_dma2 semaphore(%run_scoped3A : memref<!tpu.dma_semaphore, #tpu.memory_space<semaphore_mem>>) src(%arg6 : memref<512x64xf32, #tpu.memory_space<vmem>>) dst(%dma_wait3A_16 : memref<512x64xf32, #tpu.memory_space<hbm>>)
      tpu.yield
    }) : () -> ()
    return
  }
}

</mosaic_0001>

<sc_bundles>
// kernel: kernel.3.cloned.1.call-start
scs
__scs_entry_jumppad:
0x0: {  	(pc) =	sbr.rel $0x88, $3  }
0x1: {  	(tag) =	ssettag $0x0;
	lr =	simm.s32 $0x1  }
0x2: {  	[smem:$0x3F9F] =	sst lr;
	_ =	strace $0xD0000000  }
0x3: {  	_ = 	snop  }
0x4: {  	_ = 	snop  }
0x5: {  	_ = 	snop  }
0x6: {  	_ = 	snop  }
0x7: {  	_ = 	snop  }
__scs_overlays_trampoline_lowered:
0x8: {  	[smem:$0x3FAE] =	sst s0  }
0x9: {  	[smem:$0x3FAF] =	sst s1  }
0xa: {  	[smem:$0x3FB0] =	sst s2  }
0xb: {  	[smem:$0x3FB1] =	sst s3  }
0xc: {  	[smem:$0x3FB2] =	sst s4  }
0xd: {  	[smem:$0x3FB3] =	sst s5  }
0xe: {  	[smem:$0x3FB4] =	sst s6  }
0xf: {  	[smem:$0x3FB5] =	sst s7  }
0x10: {  	[smem:$0x3FB6] =	sst s8  }
0x11: {  	[smem:$0x3FB7] =	sst s9;
	s0 =	simm.s32 @!p0 $0x0  }
0x12: {  	s1 =	sld [smem:$0x3F9D];
	s0 =	simm.s32 @p0 $0x1  }
0x13: {  	[smem:$0x3FB8] =	sst s0;
	s0 =	simm.s32 @!p1 $0x0  }
0x14: {  	s2 =	sld [smem:$0x3F9C];
	s0 =	simm.s32 @p1 $0x1  }
0x15: {  	[smem:$0x3FB9] =	sst s0;
	s0 =	simm.s32 @!p2 $0x0  }
0x16: {  	s3 =	sld [smem:$0x3FDB];
	s0 =	simm.s32 @p2 $0x1  }
0x17: {  	s4 =	simm.s32 $0x1BF5;
	[smem:$0x3FBB] =	sst s0  }
0x18: {  	s0 =	sld [smem:$0x3F9E];
	_ =	swait.ge [sflag:s4], $0x0  }
0x19: {  	s7 =	sld [smem:$0x3F9F]  }
0x1a: {  	s8 =	sadd.s32 $0xFFFFE003, lr  }
0x1b: {  	s9 =	sadd.s32 $0xFFFFFEF7, lr;
	s5 =	simm.s32 $0xFFFFFFFF;
	p2 =	slt.u32 s8, $0xFFFFF086  }
0x1c: {  	p1 =	slt.u32 s9, $0xF7A;
	s5 =	simm.s32 @!p2 $0x0  }
0x1d: {  	s5 =	simm.s32 @p1 $0x1;
	p0 =	seq.s32 s7, s2  }
0x1e: {  	s7 =	smul.u32 @!p0 $0xF7A, s2;
	p2 =	seq.s32 @!p0 s5, $0x0  }
0x1f: {  	s9 =	smul.u32 $0xF7A, s1;
	s8 =	simm.s32 @!p0 $0x1BF5;
	p2 =	por !p2, p0  }
0x20: {  	[sflag:s8] =	ssyncset.s32 @!p0 $0xFFFFF086;
	s6 =	sadd.s32 @!p0 s3, s7;
	s7 =	simm.s32 @!p0 $0x108  }
0x21: {  	s3 =	sadd.s32 s3, s9;
	s6 =	sadd.s32 @!p0 $0x88, s6;
	s7 =	simm.s32 @p2 $0x1082  }
0x22: {  	[simem:s7], [sflag:s8] =	dma.local @!p0 [hbm:s6], $0xF7A  }
0x23: {  	s9 =	sor.u32 $0xD0000000, s2;
	s6 =	simm.s32 $0x108;
	_ =	swait.ge @!p0 [sflag:s8], $0x0  }
0x24: {  	s3 =	sadd.s32 $0x88, s3;
	s6 =	simm.s32 @!p1 $0x1082;
	[sflag:s4] =	ssyncset.s32 $0xFFFFF086  }
0x25: {  	[simem:s6], [sflag:s4] =	dma.local [hbm:s3], $0xF7A  }
0x26: {  	[smem:$0x3F9F] =	sst s1;
	(tag) =	ssettag s2;
	_ =	strace s9  }
0x27: {  	s1 =	sld [smem:$0x3FAF]  }
0x28: {  	s2 =	sld [smem:$0x3FB0]  }
0x29: {  	s4 =	sld [smem:$0x3FB2]  }
0x2a: {  	p0 =	seq.s32 s5, $0x0;
	s5 =	sld [smem:$0x3FB3]  }
0x2b: {  	s6 =	sld [smem:$0x3FB4]  }
0x2c: {  	s7 =	sld [smem:$0x3FB5]  }
0x2d: {  	s3 =	simm.s32 $0x108;
	s8 =	sld [smem:$0x3FB6]  }
0x2e: {  	s3 =	simm.s32 @!p0 $0x1082;
	s9 =	sld [smem:$0x3FB7]  }
0x2f: {  	lr =	sadd.s32 s0, s3;
	s0 =	sld [smem:$0x3FAE]  }
0x30: {  	s3 =	sld [smem:$0x3FB1]  }
0x31: {  	[smem:$0x3FBA] =	sst s10  }
0x32: {  	s10 =	sld [smem:$0x3FB8];
	_ =	sdelay $0x3  }
0x33: {  	p0 =	seq.s32 s10, $0x1;
	s10 =	sld [smem:$0x3FBA];
	_ =	sdelay $0x3  }
0x34: {  	[smem:$0x3FBA] =	sst s10  }
0x35: {  	s10 =	sld [smem:$0x3FB9];
	_ =	sdelay $0x3  }
0x36: {  	p1 =	seq.s32 s10, $0x1;
	s10 =	sld [smem:$0x3FBA];
	_ =	sdelay $0x3  }
0x37: {  	[smem:$0x3FBA] =	sst s10  }
0x38: {  	s10 =	sld [smem:$0x3FBB]  }
0x39: {  	_ = 	snop;
	(pc) =	sbr.ind lr, $3  }
0x3a: {  	_ = 	snop  }
0x3b: {  	_ = 	snop  }
0x3c: {  	p2 =	seq.s32 s10, $0x1;
	s10 =	sld [smem:$0x3FBA]  }
0x3d: {  	_ =	shalt  }
0x3e: {  	_ =	shalt  }
0x3f: {  	_ =	shalt  }
0x40: {  	_ =	shalt  }
0x41: {  	_ =	shalt  }
0x42: {  	_ =	shalt  }
0x43: {  	_ =	shalt  }
0x44: {  	_ =	shalt  }
0x45: {  	_ =	shalt  }
0x46: {  	_ =	shalt  }
0x47: {  	_ =	shalt  }
0x48: {  	_ =	shalt  }
0x49: {  	_ =	shalt  }
0x4a: {  	_ =	shalt  }
0x4b: {  	_ =	shalt  }
0x4c: {  	_ =	shalt  }
0x4d: {  	_ =	shalt  }
0x4e: {  	_ =	shalt  }
0x4f: {  	_ =	shalt  }
0x50: {  	_ =	shalt  }
0x51: {  	_ =	shalt  }
0x52: {  	_ =	shalt  }
0x53: {  	_ =	shalt  }
0x54: {  	_ =	shalt  }
0x55: {  	_ =	shalt  }
0x56: {  	_ =	shalt  }
0x57: {  	_ =	shalt  }
0x58: {  	_ =	shalt  }
0x59: {  	_ =	shalt  }
0x5a: {  	_ =	shalt  }
0x5b: {  	_ =	shalt  }
0x5c: {  	_ =	shalt  }
0x5d: {  	_ =	shalt  }
0x5e: {  	_ =	shalt  }
0x5f: {  	_ =	shalt  }
0x60: {  	_ =	shalt  }
0x61: {  	_ =	shalt  }
0x62: {  	_ =	shalt  }
0x63: {  	_ =	shalt  }
0x64: {  	_ =	shalt  }
0x65: {  	_ =	shalt  }
0x66: {  	_ =	shalt  }
0x67: {  	_ =	shalt  }
0x68: {  	_ =	shalt  }
0x69: {  	_ =	shalt  }
0x6a: {  	_ =	shalt  }
0x6b: {  	_ =	shalt  }
0x6c: {  	_ =	shalt  }
0x6d: {  	_ =	shalt  }
0x6e: {  	_ =	shalt  }
0x6f: {  	_ =	shalt  }
0x70: {  	_ =	shalt  }
0x71: {  	_ =	shalt  }
0x72: {  	_ =	shalt  }
0x73: {  	_ =	shalt  }
0x74: {  	_ =	shalt  }
0x75: {  	_ =	shalt  }
0x76: {  	_ =	shalt  }
0x77: {  	_ =	shalt  }
0x78: {  	_ =	shalt  }
0x79: {  	_ =	shalt  }
0x7a: {  	_ =	shalt  }
0x7b: {  	_ =	shalt  }
0x7c: {  	_ =	shalt  }
0x7d: {  	_ =	shalt  }
0x7e: {  	_ =	shalt  }
0x7f: {  	_ =	shalt  }
0x80: {  	_ =	shalt  }
0x81: {  	_ =	shalt  }
0x82: {  	_ =	shalt  }
0x83: {  	_ =	shalt  }
0x84: {  	_ =	shalt  }
0x85: {  	_ =	shalt  }
0x86: {  	_ =	shalt  }
0x87: {  	_ =	shalt  }
.Lfunc_end0:
.L_simem_size_0:
called_computation_lowered:
.L_overlay_start_0:
0x88: {  	s2 =	sld [smem:$0x3FD9]  }
0x89: {  	s3 =	sld [smem:$0x3FFE];
	_ =	sdelay $0x1  }
0x8a: {  	s1 =	srdreg.scid  }
0x8b: {  	s0 =	sand.u32 $0x1, s1  }
0x8c: {  	s17 =	sshll.u32 s0, $0xA;
	s2 =	sadd.s32 s3, s2  }
0x8d: {  	s2 =	sadd.s32 s2, s17  }
0x8e: {  	[smem:$0x3FC6] =	sst s2  }
0x8f: {  	_ = 	snop  }
0x90: {  	s2 =	sld [smem:$0x3FC9];
	(tm) =	ssettm $0x1  }
0x91: {  	s18 =	sld [smem:$0x3FFB];
	_ =	sdelay $0x3  }
0x92: {  	_ =	strace s18  }
0x93: {  	s3 =	sld [smem:$0x3FFC];
	_ =	sdelay $0x3  }
0x94: {  	_ =	strace s3  }
0x95: {  	s3 =	sld [smem:$0x3FFD];
	_ =	sdelay $0x3  }
0x96: {  	_ =	strace s3  }
0x97: {  	_ =	strace $0x8FFFFFFF  }
0x98: {  	s19 =	sld [smem:$0x3FDB];
	_ =	sdelay $0x1  }
0x99: {  	s4 =	simm.s32 $_scs_section_size  }
0x9a: {  	s5 =	simm.s32 $_size__tile_overlayer_lowered;
	s6 =	simm.s32 $_tile_overlayer_lowered  }
0x9b: {  	s22 =	simm.s32 $0x1BFF;
	s21 =	sshll.u32 s6, $0x1;
	s3 =	sadd.s32 s4, s19  }
0x9c: {  	s7 =	simm.s32 $0x0;
	s20 =	sshll.u32 s5, $0x1;
	s5 =	sadd.s32 s21, s3  }
0x9d: {  	[timem:s7], [sflag:s22] =	dma.local [hbm:s5], s20  }
0x9e: {  	_ =	swait.ge [sflag:s22], s20  }
0x9f: {  	s4 =	ssub.s32 $0x0, s20;
	[sflag:s22] =	ssyncset.done $0x0  }
0xa0: {  	[sflag:s22] =	ssyncadd.s32 s4;
	_ =	sdelay $0x1  }
0xa1: {  	s23 =	simm.s32 $0x1B8B  }
0xa2: {  	_ =	swait.ge [sflag:s23], $0x1  }
0xa3: {  	[sflag:s23] =	ssyncset.done $0x0  }
0xa4: {  	s25 =	simm.s32 $0x1B8E;
	s24 =	sld [smem:$0x3FFE];
	[sflag:s23] =	ssyncadd.s32 $0xFFFFFFFF  }
0xa5: {  	s26 =	simm.s32 $execute0_lowered;
	[smem:$0x3FD2] =	sst s25  }
0xa6: {  	s5 =	sshll.u32 s26, $0x1;
	_ =	strace $0x80000046;
	[dreg:$0x1] =	wrdreg $0xFFFFFFFF  }
0xa7: {  	s28 =	simm.s32 $_size_execute0_lowered;
	s3 =	sadd.s32 s3, s5;
	[dreg:$0x0] =	wrdreg $0x0  }
0xa8: {  	s5 =	sshll.u32 s28, $0x1;
	[dreg:$0x2] =	wrdreg s3  }
0xa9: {  	[dreg:$0x3] =	wrdreg s5  }
0xaa: {  	[dreg:$0x4] =	wrdreg $0xC0  }
0xab: {  	_ =	task [dreg:s7], $0x5FFFF  }
0xac: {  	[dreg:$0x1] =	wrdreg $0xFFFFFFFF  }
0xad: {  	[dreg:$0x0] =	wrdreg $0x60  }
0xae: {  	[dreg:$0x2] =	wrdreg s2  }
0xaf: {  	[dreg:$0x3] =	wrdreg s24  }
0xb0: {  	[dreg:$0x4] =	wrdreg $0x9  }
0xb1: {  	_ =	task.clear_ibuf [dreg:s7], $0x5FFFF;
	_ =	strace $0x90000046  }
0xb2: {  	s29 =	simm.s32 $0x9;
	_ =	strace $0x80000048  }
0xb3: {  	_ =	swait.ge [sflag:s29], $0x1  }
0xb4: {  	[sflag:s29] =	ssyncadd.s32 $0xFFFFFFFF  }
0xb5: {  	_ =	strace $0x90000048  }
0xb6: {  	_ =	sfence  }
0xb7: {  	s30 =	sld [smem:$0x0];
	_ =	sdelay $0x2  }
0xb8: {  	s31 =	sshll.u32 s1, $0xD;
	s1 =	sshrl.u32 s1, $0x2  }
0xb9: {  	s3 =	sand.u32 $0x4000, s31;
	s1 =	sadd.s32 s1, s30  }
0xba: {  	s0 =	sor.u32 s3, s0;
	s1 =	sshll.u32 s1, $0x11  }
0xbb: {  	s0 =	sor.u32 s1, s0  }
0xbc: {  	s0 =	sadd.s32 $0x8F2B, s0  }
0xbd: {  	[sflag:s0] =	ssyncadd.remote.s32 $0x1  }
0xbe: {  	_ =	sfence.sel $0xFFFF  }
0xbf: {  	[dreg:$0x0] =	wrdreg $0xFFFFFFFF;
	(pc) =	sbr.abs _section_cstart, $3  }
0xc0: {  	[dreg:$0x1] =	wrdreg $0xFFFFFFFF  }
0xc1: {  	_ =	task.clear_ibuf [dreg:s7], $0x2FFFF;
	_ =	strace $0x9FFFFFFF  }
0xc2: {  	(tm) =	ssettm $0x7FFFFFFF  }
0xc3: {  	_ =	shalt  }
tec
execute0_lowered:
.L_overlay_start_1:
0x0: {  	(tag) =	ssettag $0x1  }
0x1: {  	s0 =	rddreg [dreg:$0x0]  }
0x2: {  	s1 =	rddreg [dreg:$0x1];
	s3 =	srdreg.scid  }
0x3: {  	s2 =	simm.s32 $0x0;
	s5 =	stileid.u32;
	s4 =	sand.u32 $0x1, s3  }
0x4: {  	[smem:$0x7FF] =	sst s2;
	s5 =	sshll.u32 s5, $0xA;
	s6 =	sshll.u32 s4, $0x9  }
0x5: {  	s3 =	sadd.s32 $0x400, s1;
	s4 =	ssub.s32 $0x2, s4;
	s5 =	sor.u32 s6, s5  }
0x6: {  	s7 =	sshrl.u32 s4, $0x1;
	s6 =	sshll.u32 s5, $0x4;
	s5 =	sshrl.u32 s5, $0x3  }
0x7: {  	_ =	strace $0x80000047;
	s4 =	ssub.s32 s4, s7;
	s0 =	sadd.s32 s0, s5  }
0x8: {  	s1 =	sadd.s32 s6, s1;
	s31 =	smax.u32 s4, $0x1;
	[dreg:$0x8] =	wrdreg s0  }
0x9: {  	s30 =	sadd.s32 $0x186E00, s1;
	[dreg:$0xa] =	wrdreg s31  }
0xa: {  	s4 =	simm.s32 $0x0;
	s1 =	simm.s32 $0x2;
	[dreg:$0x9] =	wrdreg s30  }
.LBB2_1:
0xb: {  	[dreg:$0xb] =	wrdreg s4  }
0xc: {  	s0 =	rddreg [dreg:$0x8]  }
0xd: {  	[tilespmem:s2], [sflag:$0x2] =	stream.linear.gather [hbm4b:s0+s2], $0x200, $0x38;
	[tilespmem:$0x10200] =	vst v63  }
0xe: {  	_ =	swait.ge [sflag:s1], $0x200  }
0xf: {  	[sflag:s1] =	ssyncset.done $0x0  }
0x10: {  	s22 =	simm.s32 $0x20;
	[sflag:s1] =	ssyncadd.s32 $0xFFFFFE00  }
0x11: {  	v0 =	vld [tilespmem:s22+$0xFFFFFFE0];
	_ =	sdelay $0x4  }
0x12: {  	v0 =	vshll.u32 v0, $0x4  }
0x13: {  	(v2sf) =	vpush v0, $0x0  }
0x14: {  	(v2sf) =	vpush v0, $0x1  }
0x15: {  	(v2sf) =	vpush v0, $0x2;
	_ =	sdelay $0x1  }
0x16: {  	(v2sf) =	vpush v0, $0x3  }
0x17: {  	(v2sf) =	vpush v0, $0x4;
	_ =	sdelay $0x3  }
0x18: {  	(v2sf) =	vpush v0, $0x5;
	_ =	sdelay $0x4  }
0x19: {  	s11 =	simm.s32 $0x380;
	s12 =	simm.s32 $0x280  }
0x1a: {  	s13 =	simm.s32 $0x300;
	s6 =	simm.s32 $0x200;
	s5 =	spop (v2sf);
	(v2sf) =	vpush v0, $0x6  }
0x1b: {  	s24 =	simm.s32 $0x400;
	s5 =	sand.u32 $0x1FFFFFF0, s5;
	s7 =	spop (v2sf);
	(v2sf) =	vpush v0, $0x7  }
0x1c: {  	s28 =	simm.s32 $0x480;
	s5 =	sadd.s32 s3, s5;
	s8 =	spop (v2sf);
	(v2sf) =	vpush v0, $0x8  }
0x1d: {  	[tilespmem:s6], [sflag:$0x1] =	stream.linear.gather [hbm4b:s5+s2], $0x80, $0x38;
	[tilespmem:$0x10200] =	vst v63  }
0x1e: {  	s30 =	simm.s32 $0x700;
	s7 =	sand.u32 $0x1FFFFFF0, s7;
	s16 =	spop (v2sf);
	(v2sf) =	vpush v0, $0x9  }
0x1f: {  	s14 =	sadd.s32 s3, s7;
	s15 =	sand.u32 $0x1FFFFFF0, s8;
	s19 =	spop (v2sf)  }
0x20: {  	(v2sf) =	vpush v0, $0xA;
	[tilespmem:s12], [sflag:$0x1] =	stream.linear.gather [hbm4b:s14+s2], $0x80, $0x38;
	[tilespmem:$0x10200] =	vst v63  }
0x21: {  	s31 =	simm.s32 $0x680;
	s17 =	sadd.s32 s3, s15;
	s18 =	sand.u32 $0x1FFFFFF0, s16  }
0x22: {  	(v2sf) =	vpush v0, $0xB;
	[tilespmem:s13], [sflag:$0x1] =	stream.linear.gather [hbm4b:s17+s2], $0x80, $0x38;
	[tilespmem:$0x10200] =	vst v63  }
0x23: {  	s20 =	sadd.s32 s3, s18;
	s21 =	sand.u32 $0x1FFFFFF0, s19;
	s23 =	spop (v2sf)  }
0x24: {  	(v2sf) =	vpush v0, $0xC;
	[tilespmem:s11], [sflag:$0x1] =	stream.linear.gather [hbm4b:s20+s2], $0x80, $0x38;
	[tilespmem:$0x10200] =	vst v63  }
0x25: {  	s10 =	simm.s32 $0x600;
	s25 =	sadd.s32 s3, s21;
	s26 =	sand.u32 $0x1FFFFFF0, s23  }
0x26: {  	(v2sf) =	vpush v0, $0xD;
	[tilespmem:s24], [sflag:$0x1] =	stream.linear.gather [hbm4b:s25+s2], $0x80, $0x38;
	[tilespmem:$0x10200] =	vst v63  }
0x27: {  	s0 =	simm.s32 $0x880;
	s1 =	simm.s32 $0x800;
	s29 =	sadd.s32 s3, s26  }
0x28: {  	(v2sf) =	vpush v0, $0xE;
	[tilespmem:s28], [sflag:$0x1] =	stream.linear.gather [hbm4b:s29+s2], $0x80, $0x38;
	[tilespmem:$0x10200] =	vst v63  }
0x29: {  	s5 =	simm.s32 $0x780;
	s13 =	simm.s32 $0x580;
	s9 =	spop (v2sf)  }
0x2a: {  	s11 =	simm.s32 $0x500;
	s9 =	sand.u32 $0x1FFFFFF0, s9;
	s12 =	spop (v2sf);
	(v2sf) =	vpush v0, $0xF  }
0x2b: {  	s9 =	sadd.s32 s3, s9;
	s12 =	sand.u32 $0x1FFFFFF0, s12;
	s14 =	spop (v2sf)  }
0x2c: {  	[tilespmem:s11], [sflag:$0x1] =	stream.linear.gather [hbm4b:s9+s2], $0x80, $0x38;
	[tilespmem:$0x10200] =	vst v63  }
0x2d: {  	s15 =	sadd.s32 s3, s12;
	s16 =	sand.u32 $0x1FFFFFF0, s14;
	s17 =	spop (v2sf)  }
0x2e: {  	[tilespmem:s13], [sflag:$0x1] =	stream.linear.gather [hbm4b:s15+s2], $0x80, $0x38;
	[tilespmem:$0x10200] =	vst v63  }
0x2f: {  	s18 =	sadd.s32 s3, s16;
	s19 =	sand.u32 $0x1FFFFFF0, s17;
	s20 =	spop (v2sf)  }
0x30: {  	[tilespmem:s10], [sflag:$0x1] =	stream.linear.gather [hbm4b:s18+s2], $0x80, $0x38;
	[tilespmem:$0x10200] =	vst v63  }
0x31: {  	s21 =	sadd.s32 s3, s19;
	s23 =	sand.u32 $0x1FFFFFF0, s20;
	s24 =	spop (v2sf)  }
0x32: {  	[tilespmem:s31], [sflag:$0x1] =	stream.linear.gather [hbm4b:s21+s2], $0x80, $0x38;
	[tilespmem:$0x10200] =	vst v63  }
0x33: {  	s25 =	sadd.s32 s3, s23;
	s26 =	sand.u32 $0x1FFFFFF0, s24;
	s28 =	spop (v2sf)  }
0x34: {  	[tilespmem:s30], [sflag:$0x1] =	stream.linear.gather [hbm4b:s25+s2], $0x80, $0x38;
	[tilespmem:$0x10200] =	vst v63  }
0x35: {  	s29 =	sadd.s32 s3, s26;
	s31 =	spop (v2sf);
	s30 =	sand.u32 $0x1FFFFFF0, s28  }
0x36: {  	[tilespmem:s5], [sflag:$0x1] =	stream.linear.gather [hbm4b:s29+s2], $0x80, $0x38;
	[tilespmem:$0x10200] =	vst v63  }
0x37: {  	s9 =	sand.u32 $0x1FFFFFF0, s31;
	s10 =	spop (v2sf);
	s8 =	sadd.s32 s3, s30  }
0x38: {  	[tilespmem:s1], [sflag:$0x1] =	stream.linear.gather [hbm4b:s8+s2], $0x80, $0x38;
	[tilespmem:$0x10200] =	vst v63  }
0x39: {  	s11 =	sadd.s32 s3, s9;
	s12 =	sand.u32 $0x1FFFFFF0, s10;
	s13 =	spop (v2sf)  }
0x3a: {  	[tilespmem:s0], [sflag:$0x1] =	stream.linear.gather [hbm4b:s11+s2], $0x80, $0x38;
	[tilespmem:$0x10200] =	vst v63  }
0x3b: {  	s14 =	simm.s32 $0x900;
	s15 =	sadd.s32 s3, s12;
	s16 =	sand.u32 $0x1FFFFFF0, s13  }
0x3c: {  	[tilespmem:s14], [sflag:$0x1] =	stream.linear.gather [hbm4b:s15+s2], $0x80, $0x38;
	[tilespmem:$0x10200] =	vst v63  }
0x3d: {  	s17 =	simm.s32 $0x980;
	s18 =	sadd.s32 s3, s16  }
0x3e: {  	[tilespmem:s17], [sflag:$0x1] =	stream.linear.gather [hbm4b:s18+s2], $0x80, $0x38;
	[tilespmem:$0x10200] =	vst v63  }
0x3f: {  	v63 =	vld [tilespmem:s22+$0xFFFFFFF0];
	_ =	sdelay $0x4  }
0x40: {  	v0 =	vshll.u32 v63, $0x4  }
0x41: {  	(v2sf) =	vpush v0, $0x0  }
0x42: {  	(v2sf) =	vpush v0, $0x1  }
0x43: {  	(v2sf) =	vpush v0, $0x2;
	_ =	sdelay $0x2  }
0x44: {  	(v2sf) =	vpush v0, $0x3;
	_ =	sdelay $0x1  }
0x45: {  	(v2sf) =	vpush v0, $0x4;
	_ =	sdelay $0x1  }
0x46: {  	(v2sf) =	vpush v0, $0x5;
	_ =	sdelay $0x1  }
0x47: {  	s4 =	simm.s32 $0xE80;
	(v2sf) =	vpush v0, $0x6  }
0x48: {  	s7 =	simm.s32 $0xC00;
	s20 =	simm.s32 $0xB80;
	s24 =	simm.s32 $0xA80  }
0x49: {  	s21 =	simm.s32 $0xA00;
	s9 =	simm.s32 $0xC80;
	s29 =	simm.s32 $0xB00;
	(v2sf) =	vpush v0, $0x7  }
0x4a: {  	s1 =	simm.s32 $0xD00;
	s11 =	simm.s32 $0x1200;
	s16 =	simm.s32 $0x60  }
0x4b: {  	s14 =	simm.s32 $0x0;
	s15 =	simm.s32 $0x3200;
	(v2sf) =	vpush v0, $0x8;
	s19 =	spop (v2sf)  }
0x4c: {  	s18 =	simm.s32 $0x1000;
	s0 =	sand.u32 $0x1FFFFFF0, s19;
	s23 =	spop (v2sf)  }
0x4d: {  	s0 =	sadd.s32 s3, s0;
	s25 =	sand.u32 $0x1FFFFFF0, s23;
	s26 =	spop (v2sf)  }
0x4e: {  	[tilespmem:s21], [sflag:$0x1] =	stream.linear.gather [hbm4b:s0+s2], $0x80, $0x38;
	[tilespmem:$0x10200] =	vst v63  }
0x4f: {  	s17 =	simm.s32 $0x1080;
	(v2sf) =	vpush v0, $0x9;
	s5 =	sadd.s32 s3, s25;
	s6 =	sand.u32 $0x1FFFFFF0, s26  }
0x50: {  	s28 =	spop (v2sf);
	(v2sf) =	vpush v0, $0xA;
	s25 =	simm.s32 $0xD80;
	s0 =	simm.s32 $0xF80  }
0x51: {  	[tilespmem:s24], [sflag:$0x1] =	stream.linear.gather [hbm4b:s5+s2], $0x80, $0x38;
	[tilespmem:$0x10200] =	vst v63  }
0x52: {  	s30 =	sadd.s32 s3, s6;
	s31 =	sand.u32 $0x1FFFFFF0, s28;
	s8 =	spop (v2sf)  }
0x53: {  	[tilespmem:s29], [sflag:$0x1] =	stream.linear.gather [hbm4b:s30+s2], $0x80, $0x38;
	[tilespmem:$0x10200] =	vst v63  }
0x54: {  	s6 =	sadd.s32 s3, s31;
	s5 =	sand.u32 $0x1FFFFFF0, s8;
	s10 =	spop (v2sf)  }
0x55: {  	[tilespmem:s20], [sflag:$0x1] =	stream.linear.gather [hbm4b:s6+s2], $0x80, $0x38;
	[tilespmem:$0x10200] =	vst v63  }
0x56: {  	s5 =	sadd.s32 s3, s5;
	s12 =	spop (v2sf);
	s6 =	sand.u32 $0x1FFFFFF0, s10  }
0x57: {  	[tilespmem:s7], [sflag:$0x1] =	stream.linear.gather [hbm4b:s5+s2], $0x80, $0x38;
	[tilespmem:$0x10200] =	vst v63  }
0x58: {  	s19 =	sand.u32 $0x1FFFFFF0, s12;
	s20 =	spop (v2sf);
	s13 =	sadd.s32 s3, s6  }
0x59: {  	[tilespmem:s9], [sflag:$0x1] =	stream.linear.gather [hbm4b:s13+s2], $0x80, $0x38;
	[tilespmem:$0x10200] =	vst v63  }
0x5a: {  	s21 =	sadd.s32 s3, s19;
	s23 =	sand.u32 $0x1FFFFFF0, s20;
	s24 =	spop (v2sf)  }
0x5b: {  	[tilespmem:s1], [sflag:$0x1] =	stream.linear.gather [hbm4b:s21+s2], $0x80, $0x38;
	[tilespmem:$0x10200] =	vst v63  }
0x5c: {  	(v2sf) =	vpush v0, $0xB;
	s29 =	simm.s32 $0xE00;
	s26 =	sadd.s32 s3, s23;
	s28 =	sand.u32 $0x1FFFFFF0, s24  }
0x5d: {  	(v2sf) =	vpush v0, $0xC;
	[tilespmem:s25], [sflag:$0x1] =	stream.linear.gather [hbm4b:s26+s2], $0x80, $0x38;
	[tilespmem:$0x10200] =	vst v63  }
0x5e: {  	(v2sf) =	vpush v0, $0xD;
	s24 =	simm.s32 $0x2080;
	s30 =	sadd.s32 s3, s28;
	s31 =	spop (v2sf)  }
0x5f: {  	(v2sf) =	vpush v0, $0xE;
	s1 =	simm.s32 $0xF00;
	s7 =	sand.u32 $0x1FFFFFF0, s31;
	s6 =	spop (v2sf)  }
0x60: {  	(v2sf) =	vpush v0, $0xF;
	[tilespmem:s29], [sflag:$0x1] =	stream.linear.gather [hbm4b:s30+s2], $0x80, $0x38;
	[tilespmem:$0x10200] =	vst v63  }
.LBB2_2:
0x61: {  	_ =	sdelay $0x5  }
0x62: {  	s5 =	sadd.s32 s3, s7;
	s6 =	sand.u32 $0x1FFFFFF0, s6  }
0x63: {  	v0 =	vld [tilespmem:s16+$0xFFFFFFE0];
	[tilespmem:s4], [sflag:$0x1] =	stream.linear.gather [hbm4b:s5+s2], $0x80, $0x38  }
0x64: {  	[dreg:$0x4] =	wrdreg s24;
	s8 =	sadd.s32 $0xFFFFFF00, s11;
	s21 =	sadd.s32 s3, s6  }
0x65: {  	[tilespmem:s1], [sflag:$0x1] =	stream.linear.gather [hbm4b:s21+s2], $0x80, $0x38;
	[tilespmem:$0x10200] =	vst v63  }
0x66: {  	s9 =	sadd.s32 $0xFFFFFF80, s11;
	s12 =	sadd.s32 $0xE00, s11;
	s20 =	spop (v2sf)  }
0x67: {  	s13 =	sadd.s32 $0xC80, s11;
	s23 =	sand.u32 $0x1FFFFFF0, s20;
	s24 =	spop (v2sf)  }
0x68: {  	s25 =	sadd.s32 s3, s23;
	s26 =	sand.u32 $0x1FFFFFF0, s24;
	s28 =	spop (v2sf)  }
0x69: {  	v0 =	vshll.u32 v0, $0x4;
	[tilespmem:s0], [sflag:$0x1] =	stream.linear.gather [hbm4b:s25+s2], $0x80, $0x38;
	[tilespmem:$0x10200] =	vst v63  }
0x6a: {  	(v2sf) =	vpush v0, $0x0;
	s29 =	sadd.s32 s3, s26;
	s30 =	sand.u32 $0x1FFFFFF0, s28;
	s31 =	spop (v2sf)  }
0x6b: {  	(v2sf) =	vpush v0, $0x1;
	[tilespmem:s18], [sflag:$0x1] =	stream.linear.gather [hbm4b:s29+s2], $0x80, $0x38;
	[tilespmem:$0x10200] =	vst v63  }
0x6c: {  	(v2sf) =	vpush v0, $0x2;
	s5 =	sadd.s32 s3, s30;
	s6 =	sand.u32 $0x1FFFFFF0, s31;
	s7 =	spop (v2sf)  }
0x6d: {  	[tilespmem:s17], [sflag:$0x1] =	stream.linear.gather [hbm4b:s5+s2], $0x80, $0x38;
	[tilespmem:$0x10200] =	vst v63  }
0x6e: {  	[dreg:$0x3] =	wrdreg s12;
	(v2sf) =	vpush v0, $0x3;
	s1 =	sadd.s32 s3, s6;
	s4 =	sand.u32 $0x1FFFFFF0, s7  }
0x6f: {  	[tilespmem:s8], [sflag:$0x1] =	stream.linear.gather [hbm4b:s1+s2], $0x80, $0x38;
	[tilespmem:$0x10200] =	vst v63  }
0x70: {  	s14 =	sadd.s32 $0x4, s14;
	[dreg:$0x7] =	wrdreg s13;
	(v2sf) =	vpush v0, $0x4;
	s10 =	sadd.s32 s3, s4  }
0x71: {  	[tilespmem:s9], [sflag:$0x1] =	stream.linear.gather [hbm4b:s10+s2], $0x80, $0x38;
	[tilespmem:$0x10200] =	vst v63  }
0x72: {  	s12 =	sadd.s32 $0xFFFFF100, s15;
	s13 =	sadd.s32 $0xFFFFF000, s15;
	p0 =	slt.u32 s14, $0x1C;
	(v2sf) =	vpush v0, $0x5;
	v1 =	vld [tilespmem:s22+$0x0]  }
0x73: {  	s23 =	sadd.s32 $0xB00, s11;
	s24 =	sadd.s32 $0xA80, s11;
	s26 =	sadd.s32 $0x780, s11  }
0x74: {  	s25 =	sadd.s32 $0xA00, s11;
	s28 =	sadd.s32 $0x700, s11;
	s0 =	sadd.s32 $0x580, s11  }
0x75: {  	s31 =	sadd.s32 $0x600, s11;
	s30 =	sadd.s32 $0x680, s11;
	s18 =	sadd.s32 $0xD80, s11  }
0x76: {  	s6 =	sadd.s32 $0x300, s11;
	s29 =	sadd.s32 $0xFFFFF180, s15;
	s7 =	sadd.s32 $0x200, s11  }
0x77: {  	[dreg:$0x5] =	wrdreg s18;
	s18 =	sadd.s32 $0xC00, s11;
	s17 =	sadd.s32 $0xD00, s11;
	v1 =	vshll.u32 v1, $0x4  }
0x78: {  	s4 =	sadd.s32 $0x400, s11;
	s5 =	sadd.s32 $0x380, s11;
	[dreg:$0x6] =	wrdreg s17;
	(v2sf) =	vpush v1, $0x0  }
0x79: {  	s17 =	sadd.s32 $0xB80, s11;
	s1 =	sadd.s32 $0x500, s11;
	s19 =	spop (v2sf);
	(v2sf) =	vpush v1, $0x1  }
0x7a: {  	s10 =	sadd.s32 $0xFFFFF080, s15;
	s19 =	sand.u32 $0x1FFFFFF0, s19;
	s20 =	spop (v2sf);
	(v2sf) =	vpush v1, $0x2  }
0x7b: {  	s19 =	sadd.s32 s3, s19;
	s20 =	sand.u32 $0x1FFFFFF0, s20;
	s21 =	spop (v2sf)  }
0x7c: {  	[tilespmem:s13], [sflag:$0x1] =	stream.linear.gather [hbm4b:s19+s2], $0x80, $0x38;
	(v2sf) =	vpush v1, $0x3;
	[tilespmem:$0x10200] =	vst v63  }
0x7d: {  	s19 =	sadd.s32 s3, s20;
	s20 =	sand.u32 $0x1FFFFFF0, s21;
	s21 =	spop (v2sf)  }
0x7e: {  	[tilespmem:s10], [sflag:$0x1] =	stream.linear.gather [hbm4b:s19+s2], $0x80, $0x38;
	(v2sf) =	vpush v1, $0x4;
	[tilespmem:$0x10200] =	vst v63  }
0x7f: {  	s19 =	sadd.s32 s3, s20;
	s20 =	sand.u32 $0x1FFFFFF0, s21;
	s21 =	spop (v2sf)  }
0x80: {  	(v2sf) =	vpush v1, $0x5;
	[tilespmem:s12], [sflag:$0x1] =	stream.linear.gather [hbm4b:s19+s2], $0x80, $0x38;
	[tilespmem:$0x10200] =	vst v63  }
0x81: {  	s13 =	sadd.s32 s3, s20;
	s20 =	sand.u32 $0x1FFFFFF0, s21;
	s21 =	spop (v2sf)  }
0x82: {  	(v2sf) =	vpush v1, $0x6;
	[tilespmem:s29], [sflag:$0x1] =	stream.linear.gather [hbm4b:s13+s2], $0x80, $0x38;
	[tilespmem:$0x10200] =	vst v63  }
0x83: {  	s12 =	sadd.s32 s3, s20;
	(v2sf) =	vpush v1, $0x7;
	s29 =	sadd.s32 $0xFFFFF200, s15;
	s13 =	sand.u32 $0x1FFFFFF0, s21  }
0x84: {  	[tilespmem:s29], [sflag:$0x1] =	stream.linear.gather [hbm4b:s12+s2], $0x80, $0x38;
	[tilespmem:$0x10200] =	vst v63  }
0x85: {  	s8 =	sadd.s32 $0x280, s11;
	(v2sf) =	vpush v1, $0x8;
	s19 =	sadd.s32 s3, s13;
	s12 =	sadd.s32 $0xFFFFF280, s15  }
0x86: {  	[tilespmem:s12], [sflag:$0x1] =	stream.linear.gather [hbm4b:s19+s2], $0x80, $0x38;
	[tilespmem:$0x10200] =	vst v63  }
0x87: {  	s10 =	sadd.s32 $0x80, s11;
	s13 =	sadd.s32 $0x180, s11;
	s20 =	spop (v2sf)  }
0x88: {  	s12 =	sadd.s32 $0x100, s11;
	s19 =	sand.u32 $0x1FFFFFF0, s20;
	s21 =	spop (v2sf)  }
0x89: {  	(v2sf) =	vpush v1, $0x9;
	s19 =	sadd.s32 s3, s19;
	s20 =	sand.u32 $0x1FFFFFF0, s21;
	s21 =	spop (v2sf)  }
0x8a: {  	[tilespmem:s11], [sflag:$0x1] =	stream.linear.gather [hbm4b:s19+s2], $0x80, $0x38;
	[tilespmem:$0x10200] =	vst v63  }
0x8b: {  	s19 =	sadd.s32 s3, s20;
	s20 =	sand.u32 $0x1FFFFFF0, s21;
	s21 =	spop (v2sf)  }
0x8c: {  	[tilespmem:s10], [sflag:$0x1] =	stream.linear.gather [hbm4b:s19+s2], $0x80, $0x38;
	[tilespmem:$0x10200] =	vst v63  }
0x8d: {  	s19 =	sadd.s32 s3, s20;
	s20 =	sand.u32 $0x1FFFFFF0, s21;
	s21 =	spop (v2sf);
	(v2sf) =	vpush v1, $0xA  }
0x8e: {  	[tilespmem:s12], [sflag:$0x1] =	stream.linear.gather [hbm4b:s19+s2], $0x80, $0x38;
	[tilespmem:$0x10200] =	vst v63  }
0x8f: {  	s19 =	sadd.s32 s3, s20;
	s20 =	sand.u32 $0x1FFFFFF0, s21;
	s21 =	spop (v2sf);
	(v2sf) =	vpush v1, $0xB  }
0x90: {  	(v2sf) =	vpush v1, $0xC;
	[tilespmem:s13], [sflag:$0x1] =	stream.linear.gather [hbm4b:s19+s2], $0x80, $0x38;
	[tilespmem:$0x10200] =	vst v63  }
0x91: {  	s13 =	sadd.s32 s3, s20;
	s20 =	sand.u32 $0x1FFFFFF0, s21;
	s21 =	spop (v2sf)  }
0x92: {  	(v2sf) =	vpush v1, $0xD;
	s19 =	sadd.s32 s3, s20;
	s20 =	sand.u32 $0x1FFFFFF0, s21;
	s21 =	spop (v2sf)  }
0x93: {  	[tilespmem:s7], [sflag:$0x1] =	stream.linear.gather [hbm4b:s13+s2], $0x80, $0x38;
	[tilespmem:$0x10200] =	vst v63  }
0x94: {  	s9 =	sadd.s32 $0x480, s11;
	s29 =	sadd.s32 $0xFFFFF680, s15;
	(v2sf) =	vpush v1, $0xE;
	s13 =	spop (v2sf)  }
0x95: {  	[tilespmem:s8], [sflag:$0x1] =	stream.linear.gather [hbm4b:s19+s2], $0x80, $0x38;
	[tilespmem:$0x10200] =	vst v63  }
0x96: {  	s10 =	sadd.s32 s3, s20;
	s12 =	sand.u32 $0x1FFFFFF0, s21;
	(v2sf) =	vpush v1, $0xF;
	s20 =	sand.u32 $0x1FFFFFF0, s13  }
0x97: {  	[tilespmem:s6], [sflag:$0x1] =	stream.linear.gather [hbm4b:s10+s2], $0x80, $0x38;
	[tilespmem:$0x10200] =	vst v63  }
0x98: {  	s19 =	sadd.s32 s3, s12;
	s7 =	sadd.s32 s3, s20;
	s21 =	spop (v2sf)  }
0x99: {  	[tilespmem:s5], [sflag:$0x1] =	stream.linear.gather [hbm4b:s19+s2], $0x80, $0x38;
	[tilespmem:$0x10200] =	vst v63  }
0x9a: {  	s6 =	sadd.s32 $0xFFFFF500, s15;
	(v2sf) =	vpush v0, $0x6;
	s5 =	sadd.s32 $0xFFFFF600, s15;
	s8 =	sand.u32 $0x1FFFFFF0, s21  }
0x9b: {  	[tilespmem:s4], [sflag:$0x1] =	stream.linear.gather [hbm4b:s7+s2], $0x80, $0x38;
	[tilespmem:$0x10200] =	vst v63  }
0x9c: {  	(v2sf) =	vpush v0, $0x7;
	s4 =	sadd.s32 $0xFFFFF580, s15;
	s7 =	sadd.s32 s3, s8;
	s10 =	spop (v2sf)  }
0x9d: {  	(v2sf) =	vpush v0, $0x8;
	[tilespmem:s9], [sflag:$0x1] =	stream.linear.gather [hbm4b:s7+s2], $0x80, $0x38;
	[tilespmem:$0x10200] =	vst v63  }
0x9e: {  	s7 =	sadd.s32 $0xFFFFF480, s15;
	s8 =	sand.u32 $0x1FFFFFF0, s10;
	s12 =	spop (v2sf)  }
0x9f: {  	(v2sf) =	vpush v0, $0x9;
	s8 =	sadd.s32 s3, s8;
	s9 =	sand.u32 $0x1FFFFFF0, s12;
	s13 =	spop (v2sf)  }
0xa0: {  	[tilespmem:s1], [sflag:$0x1] =	stream.linear.gather [hbm4b:s8+s2], $0x80, $0x38;
	[tilespmem:$0x10200] =	vst v63  }
0xa1: {  	(v2sf) =	vpush v0, $0xA;
	s19 =	sadd.s32 s3, s9;
	s20 =	sand.u32 $0x1FFFFFF0, s13;
	s21 =	spop (v2sf)  }
0xa2: {  	[tilespmem:s0], [sflag:$0x1] =	stream.linear.gather [hbm4b:s19+s2], $0x80, $0x38;
	[tilespmem:$0x10200] =	vst v63  }
0xa3: {  	(v2sf) =	vpush v0, $0xB;
	s8 =	sadd.s32 s3, s20;
	s9 =	sand.u32 $0x1FFFFFF0, s21;
	s10 =	spop (v2sf)  }
0xa4: {  	[tilespmem:s31], [sflag:$0x1] =	stream.linear.gather [hbm4b:s8+s2], $0x80, $0x38;
	[tilespmem:$0x10200] =	vst v63  }
0xa5: {  	(v2sf) =	vpush v0, $0xC;
	s12 =	sadd.s32 s3, s9;
	s13 =	sand.u32 $0x1FFFFFF0, s10;
	s19 =	spop (v2sf)  }
0xa6: {  	[tilespmem:s30], [sflag:$0x1] =	stream.linear.gather [hbm4b:s12+s2], $0x80, $0x38;
	[tilespmem:$0x10200] =	vst v63  }
0xa7: {  	s0 =	sadd.s32 $0xFFFFF400, s15;
	(v2sf) =	vpush v0, $0xD;
	s1 =	sadd.s32 s3, s13;
	s8 =	sand.u32 $0x1FFFFFF0, s19  }
0xa8: {  	[tilespmem:s28], [sflag:$0x1] =	stream.linear.gather [hbm4b:s1+s2], $0x80, $0x38;
	[tilespmem:$0x10200] =	vst v63  }
0xa9: {  	s20 =	sadd.s32 $0xFFFFF380, s15;
	s8 =	sadd.s32 s3, s8;
	s21 =	spop (v2sf);
	(v2sf) =	vpush v0, $0xE  }
0xaa: {  	[tilespmem:s26], [sflag:$0x1] =	stream.linear.gather [hbm4b:s8+s2], $0x80, $0x38;
	[tilespmem:$0x10200] =	vst v63  }
0xab: {  	s28 =	sadd.s32 $0xFFFFF300, s15;
	s9 =	sand.u32 $0x1FFFFFF0, s21;
	s30 =	spop (v2sf);
	(v2sf) =	vpush v0, $0xF;
	v62 =	vld [tilespmem:s22+$0x10]  }
0xac: {  	s9 =	sadd.s32 s3, s9;
	s10 =	sand.u32 $0x1FFFFFF0, s30;
	s31 =	spop (v2sf)  }
0xad: {  	[tilespmem:s28], [sflag:$0x1] =	stream.linear.gather [hbm4b:s9+s2], $0x80, $0x38;
	[tilespmem:$0x10200] =	vst v63  }
0xae: {  	s9 =	sadd.s32 s3, s10;
	s10 =	sand.u32 $0x1FFFFFF0, s31;
	s12 =	spop (v2sf)  }
0xaf: {  	[tilespmem:s20], [sflag:$0x1] =	stream.linear.gather [hbm4b:s9+s2], $0x80, $0x38;
	[tilespmem:$0x10200] =	vst v63  }
0xb0: {  	s13 =	sadd.s32 s3, s10;
	s19 =	sand.u32 $0x1FFFFFF0, s12;
	s20 =	spop (v2sf);
	v0 =	vshll.u32 v62, $0x4  }
0xb1: {  	[tilespmem:s0], [sflag:$0x1] =	stream.linear.gather [hbm4b:s13+s2], $0x80, $0x38;
	(v2sf) =	vpush v0, $0x0;
	[tilespmem:$0x10200] =	vst v63  }
0xb2: {  	s21 =	sadd.s32 s3, s19;
	s22 =	sand.u32 $0x1FFFFFF0, s20;
	s26 =	spop (v2sf);
	(v2sf) =	vpush v0, $0x1  }
0xb3: {  	[tilespmem:s7], [sflag:$0x1] =	stream.linear.gather [hbm4b:s21+s2], $0x80, $0x38;
	(v2sf) =	vpush v0, $0x2;
	[tilespmem:$0x10200] =	vst v63  }
0xb4: {  	s28 =	sadd.s32 s3, s22;
	s30 =	sand.u32 $0x1FFFFFF0, s26;
	s31 =	spop (v2sf)  }
0xb5: {  	[tilespmem:s6], [sflag:$0x1] =	stream.linear.gather [hbm4b:s28+s2], $0x80, $0x38;
	(v2sf) =	vpush v0, $0x3;
	[tilespmem:$0x10200] =	vst v63  }
0xb6: {  	s8 =	sadd.s32 s3, s30;
	s9 =	sand.u32 $0x1FFFFFF0, s31;
	s10 =	spop (v2sf)  }
0xb7: {  	(v2sf) =	vpush v0, $0x4;
	[tilespmem:s4], [sflag:$0x1] =	stream.linear.gather [hbm4b:s8+s2], $0x80, $0x38;
	[tilespmem:$0x10200] =	vst v63  }
0xb8: {  	s12 =	sadd.s32 s3, s9;
	s13 =	sand.u32 $0x1FFFFFF0, s10;
	s19 =	spop (v2sf)  }
0xb9: {  	(v2sf) =	vpush v0, $0x5;
	[tilespmem:s5], [sflag:$0x1] =	stream.linear.gather [hbm4b:s12+s2], $0x80, $0x38;
	[tilespmem:$0x10200] =	vst v63  }
0xba: {  	s20 =	sadd.s32 s3, s13;
	s21 =	sand.u32 $0x1FFFFFF0, s19;
	s22 =	spop (v2sf);
	(v2sf) =	vpush v0, $0x6  }
0xbb: {  	[tilespmem:s29], [sflag:$0x1] =	stream.linear.gather [hbm4b:s20+s2], $0x80, $0x38;
	[tilespmem:$0x10200] =	vst v63  }
0xbc: {  	s26 =	sadd.s32 $0xFFFFF700, s15;
	s1 =	sadd.s32 s3, s21;
	s4 =	sand.u32 $0x1FFFFFF0, s22;
	(v2sf) =	vpush v0, $0x7  }
0xbd: {  	[tilespmem:s26], [sflag:$0x1] =	stream.linear.gather [hbm4b:s1+s2], $0x80, $0x38;
	[tilespmem:$0x10200] =	vst v63  }
0xbe: {  	s30 =	sadd.s32 $0x880, s11;
	s28 =	sadd.s32 $0xFFFFF780, s15;
	s29 =	sadd.s32 s3, s4;
	(v2sf) =	vpush v0, $0x8  }
0xbf: {  	[tilespmem:s28], [sflag:$0x1] =	stream.linear.gather [hbm4b:s29+s2], $0x80, $0x38;
	[tilespmem:$0x10200] =	vst v63  }
0xc0: {  	s31 =	sadd.s32 $0x900, s11;
	s10 =	sadd.s32 $0x800, s11;
	s9 =	spop (v2sf)  }
0xc1: {  	s4 =	sadd.s32 $0x980, s11;
	s5 =	sand.u32 $0x1FFFFFF0, s9;
	s12 =	spop (v2sf)  }
0xc2: {  	(v2sf) =	vpush v0, $0x9;
	s5 =	sadd.s32 s3, s5;
	s7 =	sand.u32 $0x1FFFFFF0, s12;
	s13 =	spop (v2sf)  }
0xc3: {  	[tilespmem:s10], [sflag:$0x1] =	stream.linear.gather [hbm4b:s5+s2], $0x80, $0x38;
	[tilespmem:$0x10200] =	vst v63  }
0xc4: {  	(v2sf) =	vpush v0, $0xA;
	s19 =	sadd.s32 s3, s7;
	s20 =	sand.u32 $0x1FFFFFF0, s13;
	s21 =	spop (v2sf)  }
0xc5: {  	(v2sf) =	vpush v0, $0xB;
	[tilespmem:s30], [sflag:$0x1] =	stream.linear.gather [hbm4b:s19+s2], $0x80, $0x38;
	[tilespmem:$0x10200] =	vst v63  }
0xc6: {  	s22 =	sadd.s32 s3, s20;
	s26 =	sand.u32 $0x1FFFFFF0, s21;
	s28 =	spop (v2sf)  }
0xc7: {  	(v2sf) =	vpush v0, $0xC;
	[tilespmem:s31], [sflag:$0x1] =	stream.linear.gather [hbm4b:s22+s2], $0x80, $0x38;
	[tilespmem:$0x10200] =	vst v63  }
0xc8: {  	s29 =	sadd.s32 s3, s26;
	s30 =	sand.u32 $0x1FFFFFF0, s28;
	s31 =	spop (v2sf)  }
0xc9: {  	s28 =	rddreg [dreg:$0x7];
	s1 =	sadd.s32 s3, s30;
	s5 =	spop (v2sf)  }
0xca: {  	[tilespmem:s4], [sflag:$0x1] =	stream.linear.gather [hbm4b:s29+s2], $0x80, $0x38;
	[tilespmem:$0x10200] =	vst v63  }
0xcb: {  	(v2sf) =	vpush v0, $0xD;
	s4 =	sand.u32 $0x1FFFFFF0, s31;
	s7 =	sand.u32 $0x1FFFFFF0, s5;
	s8 =	spop (v2sf)  }
0xcc: {  	[tilespmem:s25], [sflag:$0x1] =	stream.linear.gather [hbm4b:s1+s2], $0x80, $0x38;
	[tilespmem:$0x10200] =	vst v63  }
0xcd: {  	s6 =	sadd.s32 s3, s4;
	s10 =	sand.u32 $0x1FFFFFF0, s8;
	s12 =	spop (v2sf)  }
0xce: {  	(v2sf) =	vpush v0, $0xE;
	[tilespmem:s24], [sflag:$0x1] =	stream.linear.gather [hbm4b:s6+s2], $0x80, $0x38;
	[tilespmem:$0x10200] =	vst v63  }
0xcf: {  	(v2sf) =	vpush v0, $0xF;
	s9 =	sadd.s32 s3, s7;
	s13 =	sadd.s32 s3, s10;
	s19 =	sand.u32 $0x1FFFFFF0, s12  }
0xd0: {  	[tilespmem:s23], [sflag:$0x1] =	stream.linear.gather [hbm4b:s9+s2], $0x80, $0x38;
	[tilespmem:$0x10200] =	vst v63  }
0xd1: {  	s10 =	rddreg [dreg:$0x5];
	s21 =	sadd.s32 s3, s19;
	s20 =	spop (v2sf)  }
0xd2: {  	[tilespmem:s17], [sflag:$0x1] =	stream.linear.gather [hbm4b:s13+s2], $0x80, $0x38;
	[tilespmem:$0x10200] =	vst v63  }
0xd3: {  	s6 =	rddreg [dreg:$0x6];
	s22 =	sand.u32 $0x1FFFFFF0, s20;
	s23 =	spop (v2sf);
	v63 =	vld [tilespmem:s16+$0xFFFFFFF0]  }
0xd4: {  	s24 =	sadd.s32 s3, s22;
	s25 =	sand.u32 $0x1FFFFFF0, s23;
	s26 =	spop (v2sf)  }
0xd5: {  	[tilespmem:s18], [sflag:$0x1] =	stream.linear.gather [hbm4b:s21+s2], $0x80, $0x38;
	[tilespmem:$0x10200] =	vst v63  }
0xd6: {  	s22 =	rddreg [dreg:$0x4];
	s23 =	sadd.s32 $0xF00, s11;
	s31 =	spop (v2sf)  }
0xd7: {  	s29 =	sadd.s32 s3, s25;
	s30 =	sand.u32 $0x1FFFFFF0, s26;
	s8 =	sand.u32 $0x1FFFFFF0, s31  }
0xd8: {  	[tilespmem:s28], [sflag:$0x1] =	stream.linear.gather [hbm4b:s24+s2], $0x80, $0x38;
	v0 =	vshll.u32 v63, $0x4;
	[tilespmem:$0x10200] =	vst v63  }
0xd9: {  	s18 =	rddreg [dreg:$0x3];
	s7 =	sadd.s32 s3, s30;
	s12 =	sadd.s32 s3, s8;
	(v2sf) =	vpush v0, $0x0  }
0xda: {  	s24 =	sadd.s32 $0xF80, s11;
	s11 =	smov.u32 s15;
	s9 =	spop (v2sf);
	(v2sf) =	vpush v0, $0x1  }
0xdb: {  	s15 =	sadd.s32 $0x2000, s15;
	s0 =	sadd.s32 $0xFFFFFD80, s11;
	s5 =	sadd.s32 $0xFFFFFC00, s11;
	(v2sf) =	vpush v0, $0x2  }
0xdc: {  	[tilespmem:s6], [sflag:$0x1] =	stream.linear.gather [hbm4b:s29+s2], $0x80, $0x38;
	[tilespmem:$0x10200] =	vst v63  }
0xdd: {  	s8 =	sadd.s32 $0xFFFFF980, s11;
	s26 =	sadd.s32 $0xFFFFF880, s11;
	s17 =	spop (v2sf);
	(v2sf) =	vpush v0, $0x3  }
0xde: {  	s13 =	sand.u32 $0x1FFFFFF0, s9;
	s6 =	sadd.s32 $0xFFFFFB80, s11;
	s21 =	spop (v2sf)  }
0xdf: {  	[tilespmem:s10], [sflag:$0x1] =	stream.linear.gather [hbm4b:s7+s2], $0x80, $0x38;
	(v2sf) =	vpush v0, $0x4;
	[tilespmem:$0x10200] =	vst v63  }
0xe0: {  	s9 =	sadd.s32 $0xFFFFFA00, s11;
	s29 =	sadd.s32 $0xFFFFF800, s11;
	s19 =	sadd.s32 s3, s13  }
0xe1: {  	[tilespmem:s18], [sflag:$0x1] =	stream.linear.gather [hbm4b:s12+s2], $0x80, $0x38;
	(v2sf) =	vpush v0, $0x5;
	[tilespmem:$0x10200] =	vst v63  }
0xe2: {  	s20 =	sand.u32 $0x1FFFFFF0, s17;
	s17 =	sadd.s32 $0xFFFFFE80, s11;
	s13 =	sadd.s32 $0xFFFFF900, s11  }
0xe3: {  	[tilespmem:s22], [sflag:$0x1] =	stream.linear.gather [hbm4b:s19+s2], $0x80, $0x38;
	(v2sf) =	vpush v0, $0x6;
	[tilespmem:$0x10200] =	vst v63  }
0xe4: {  	s1 =	sadd.s32 s3, s20;
	s4 =	sand.u32 $0x1FFFFFF0, s21;
	s7 =	sadd.s32 $0xFFFFFB00, s11  }
0xe5: {  	[tilespmem:s23], [sflag:$0x1] =	stream.linear.gather [hbm4b:s1+s2], $0x80, $0x38;
	[tilespmem:$0x10200] =	vst v63  }
0xe6: {  	s10 =	sadd.s32 $0xFFFFFA80, s11;
	s25 =	sadd.s32 s3, s4;
	s4 =	sadd.s32 $0xFFFFFC80, s11  }
0xe7: {  	(v2sf) =	vpush v0, $0x7;
	[tilespmem:s24], [sflag:$0x1] =	stream.linear.gather [hbm4b:s25+s2], $0x80, $0x38;
	[tilespmem:$0x10200] =	vst v63  }
0xe8: {  	s18 =	sadd.s32 $0xFFFFFE00, s11;
	s22 =	smov.u32 s16;
	s28 =	spop (v2sf)  }
0xe9: {  	s16 =	sadd.s32 $0x40, s16;
	(v2sf) =	vpush v0, $0x8;
	s19 =	sand.u32 $0x1FFFFFF0, s28;
	s30 =	spop (v2sf)  }
0xea: {  	(v2sf) =	vpush v0, $0x9;
	s19 =	sadd.s32 s3, s19;
	s21 =	sand.u32 $0x1FFFFFF0, s30;
	s31 =	spop (v2sf)  }
0xeb: {  	[tilespmem:s29], [sflag:$0x1] =	stream.linear.gather [hbm4b:s19+s2], $0x80, $0x38;
	[tilespmem:$0x10200] =	vst v63  }
0xec: {  	(v2sf) =	vpush v0, $0xA;
	s20 =	sadd.s32 s3, s21;
	s21 =	sand.u32 $0x1FFFFFF0, s31;
	s23 =	spop (v2sf)  }
0xed: {  	[tilespmem:s26], [sflag:$0x1] =	stream.linear.gather [hbm4b:s20+s2], $0x80, $0x38;
	[tilespmem:$0x10200] =	vst v63  }
0xee: {  	s25 =	sadd.s32 s3, s21;
	s28 =	spop (v2sf);
	s26 =	sand.u32 $0x1FFFFFF0, s23  }
0xef: {  	[tilespmem:s13], [sflag:$0x1] =	stream.linear.gather [hbm4b:s25+s2], $0x80, $0x38;
	[tilespmem:$0x10200] =	vst v63  }
0xf0: {  	s30 =	sand.u32 $0x1FFFFFF0, s28;
	s31 =	spop (v2sf);
	s29 =	sadd.s32 s3, s26  }
0xf1: {  	[tilespmem:s8], [sflag:$0x1] =	stream.linear.gather [hbm4b:s29+s2], $0x80, $0x38;
	[tilespmem:$0x10200] =	vst v63  }
0xf2: {  	s12 =	sadd.s32 s3, s30;
	s19 =	spop (v2sf);
	s13 =	sand.u32 $0x1FFFFFF0, s31  }
0xf3: {  	[tilespmem:s9], [sflag:$0x1] =	stream.linear.gather [hbm4b:s12+s2], $0x80, $0x38;
	[tilespmem:$0x10200] =	vst v63  }
0xf4: {  	s1 =	sadd.s32 $0xFFFFFD00, s11;
	s21 =	sand.u32 $0x1FFFFFF0, s19;
	s20 =	sadd.s32 s3, s13  }
0xf5: {  	[tilespmem:s10], [sflag:$0x1] =	stream.linear.gather [hbm4b:s20+s2], $0x80, $0x38;
	[tilespmem:$0x10200] =	vst v63  }
0xf6: {  	s24 =	sadd.s32 $0xE80, s11;
	s23 =	spop (v2sf);
	s25 =	sadd.s32 s3, s21  }
0xf7: {  	[tilespmem:s7], [sflag:$0x1] =	stream.linear.gather [hbm4b:s25+s2], $0x80, $0x38;
	[tilespmem:$0x10200] =	vst v63  }
.Ltmp0:
0xf8: {  	(v2sf) =	vpush v0, $0xB;
	s26 =	sand.u32 $0x1FFFFFF0, s23;
	s28 =	spop (v2sf);
	(pc) =	sbr.rel @p0 .LBB2_2-.Ltmp0, $4  }
0xf9: {  	(v2sf) =	vpush v0, $0xC;
	s29 =	sadd.s32 s3, s26;
	s30 =	sand.u32 $0x1FFFFFF0, s28;
	s31 =	spop (v2sf)  }
0xfa: {  	(v2sf) =	vpush v0, $0xD;
	[tilespmem:s6], [sflag:$0x1] =	stream.linear.gather [hbm4b:s29+s2], $0x80, $0x38;
	[tilespmem:$0x10200] =	vst v63  }
0xfb: {  	(v2sf) =	vpush v0, $0xE;
	s8 =	sadd.s32 s3, s30;
	s7 =	sand.u32 $0x1FFFFFF0, s31;
	s6 =	spop (v2sf)  }
0xfc: {  	(v2sf) =	vpush v0, $0xF;
	[tilespmem:s5], [sflag:$0x1] =	stream.linear.gather [hbm4b:s8+s2], $0x80, $0x38;
	[tilespmem:$0x10200] =	vst v63  }
0xfd: {  	_ =	sdelay $0x4  }
0xfe: {  	s5 =	sadd.s32 s3, s7  }
0xff: {  	[tilespmem:s4], [sflag:$0x1] =	stream.linear.gather [hbm4b:s5+s2], $0x80, $0x38;
	[tilespmem:$0x10200] =	vst v63  }
0x100: {  	s5 =	sand.u32 $0x1FFFFFF0, s6  }
0x101: {  	s4 =	sadd.s32 s3, s5  }
0x102: {  	[tilespmem:s1], [sflag:$0x1] =	stream.linear.gather [hbm4b:s4+s2], $0x80, $0x38;
	[tilespmem:$0x10200] =	vst v63  }
0x103: {  	s6 =	spop (v2sf)  }
0x104: {  	s1 =	sand.u32 $0x1FFFFFF0, s6  }
0x105: {  	s7 =	spop (v2sf);
	s1 =	sadd.s32 s3, s1  }
0x106: {  	[tilespmem:s0], [sflag:$0x1] =	stream.linear.gather [hbm4b:s1+s2], $0x80, $0x38;
	[tilespmem:$0x10200] =	vst v63  }
0x107: {  	s0 =	sand.u32 $0x1FFFFFF0, s7  }
0x108: {  	s8 =	spop (v2sf);
	s0 =	sadd.s32 s3, s0  }
0x109: {  	[tilespmem:s18], [sflag:$0x1] =	stream.linear.gather [hbm4b:s0+s2], $0x80, $0x38;
	[tilespmem:$0x10200] =	vst v63  }
0x10a: {  	s0 =	sand.u32 $0x1FFFFFF0, s8  }
0x10b: {  	s9 =	spop (v2sf);
	s0 =	sadd.s32 s3, s0  }
0x10c: {  	[tilespmem:s17], [sflag:$0x1] =	stream.linear.gather [hbm4b:s0+s2], $0x80, $0x38;
	[tilespmem:$0x10200] =	vst v63  }
0x10d: {  	s0 =	sand.u32 $0x1FFFFFF0, s9  }
0x10e: {  	s10 =	sadd.s32 $0xFFFFFF00, s11;
	s12 =	spop (v2sf);
	s0 =	sadd.s32 s3, s0  }
0x10f: {  	[tilespmem:s10], [sflag:$0x1] =	stream.linear.gather [hbm4b:s0+s2], $0x80, $0x38;
	[tilespmem:$0x10200] =	vst v63  }
0x110: {  	s0 =	sand.u32 $0x1FFFFFF0, s12  }
0x111: {  	s13 =	sadd.s32 $0xFFFFFF80, s11;
	s0 =	sadd.s32 s3, s0  }
0x112: {  	[tilespmem:s13], [sflag:$0x1] =	stream.linear.gather [hbm4b:s0+s2], $0x80, $0x38;
	[tilespmem:$0x10200] =	vst v63  }
0x113: {  	v0 =	vld [tilespmem:s22+$0x0];
	_ =	sdelay $0x4  }
0x114: {  	v0 =	vshll.u32 v0, $0x4  }
0x115: {  	(v2sf) =	vpush v0, $0x0;
	_ =	sdelay $0x1  }
0x116: {  	(v2sf) =	vpush v0, $0x1;
	_ =	sdelay $0x1  }
0x117: {  	(v2sf) =	vpush v0, $0x2;
	_ =	sdelay $0x3  }
0x118: {  	(v2sf) =	vpush v0, $0x3;
	_ =	sdelay $0x4  }
0x119: {  	(v2sf) =	vpush v0, $0x4;
	_ =	sdelay $0x1  }
0x11a: {  	s14 =	spop (v2sf);
	(v2sf) =	vpush v0, $0x5;
	_ =	sdelay $0x1  }
0x11b: {  	s15 =	spop (v2sf);
	(v2sf) =	vpush v0, $0x6;
	_ =	sdelay $0x1  }
0x11c: {  	s17 =	spop (v2sf);
	(v2sf) =	vpush v0, $0x7  }
0x11d: {  	s0 =	sand.u32 $0x1FFFFFF0, s14  }
0x11e: {  	s16 =	sadd.s32 $0x80, s11;
	s0 =	sadd.s32 s3, s0;
	s1 =	sand.u32 $0x1FFFFFF0, s15  }
0x11f: {  	[tilespmem:s11], [sflag:$0x1] =	stream.linear.gather [hbm4b:s0+s2], $0x80, $0x38;
	[tilespmem:$0x10200] =	vst v63  }
0x120: {  	s1 =	sadd.s32 s3, s1;
	s0 =	sand.u32 $0x1FFFFFF0, s17;
	s19 =	spop (v2sf)  }
0x121: {  	(v2sf) =	vpush v0, $0x8;
	[tilespmem:s16], [sflag:$0x1] =	stream.linear.gather [hbm4b:s1+s2], $0x80, $0x38;
	[tilespmem:$0x10200] =	vst v63  }
0x122: {  	s18 =	sadd.s32 $0x100, s11;
	s0 =	sadd.s32 s3, s0  }
0x123: {  	[tilespmem:s18], [sflag:$0x1] =	stream.linear.gather [hbm4b:s0+s2], $0x80, $0x38;
	[tilespmem:$0x10200] =	vst v63  }
0x124: {  	s0 =	sand.u32 $0x1FFFFFF0, s19  }
0x125: {  	s20 =	sadd.s32 $0x180, s11;
	s21 =	spop (v2sf);
	s0 =	sadd.s32 s3, s0  }
0x126: {  	[tilespmem:s20], [sflag:$0x1] =	stream.linear.gather [hbm4b:s0+s2], $0x80, $0x38;
	[tilespmem:$0x10200] =	vst v63  }
0x127: {  	s25 =	spop (v2sf);
	(v2sf) =	vpush v0, $0x9  }
0x128: {  	s0 =	sand.u32 $0x1FFFFFF0, s21  }
0x129: {  	s23 =	sadd.s32 $0x200, s11;
	s0 =	sadd.s32 s3, s0;
	s28 =	spop (v2sf);
	(v2sf) =	vpush v0, $0xA  }
0x12a: {  	[tilespmem:s23], [sflag:$0x1] =	stream.linear.gather [hbm4b:s0+s2], $0x80, $0x38;
	[tilespmem:$0x10200] =	vst v63  }
0x12b: {  	s30 =	spop (v2sf);
	(v2sf) =	vpush v0, $0xB  }
0x12c: {  	s0 =	sand.u32 $0x1FFFFFF0, s25  }
0x12d: {  	s26 =	sadd.s32 $0x280, s11;
	s0 =	sadd.s32 s3, s0  }
0x12e: {  	[tilespmem:s26], [sflag:$0x1] =	stream.linear.gather [hbm4b:s0+s2], $0x80, $0x38;
	[tilespmem:$0x10200] =	vst v63  }
0x12f: {  	s0 =	sand.u32 $0x1FFFFFF0, s28  }
0x130: {  	s29 =	sadd.s32 $0x300, s11;
	s1 =	spop (v2sf);
	s0 =	sadd.s32 s3, s0  }
0x131: {  	(v2sf) =	vpush v0, $0xC;
	[tilespmem:s29], [sflag:$0x1] =	stream.linear.gather [hbm4b:s0+s2], $0x80, $0x38;
	[tilespmem:$0x10200] =	vst v63  }
0x132: {  	s0 =	sand.u32 $0x1FFFFFF0, s30  }
0x133: {  	s31 =	sadd.s32 $0x380, s11;
	s0 =	sadd.s32 s3, s0  }
0x134: {  	[tilespmem:s31], [sflag:$0x1] =	stream.linear.gather [hbm4b:s0+s2], $0x80, $0x38;
	[tilespmem:$0x10200] =	vst v63  }
0x135: {  	s0 =	sand.u32 $0x1FFFFFF0, s1  }
0x136: {  	s4 =	sadd.s32 $0x400, s11;
	s0 =	sadd.s32 s3, s0;
	s5 =	spop (v2sf);
	(v2sf) =	vpush v0, $0xD  }
0x137: {  	[tilespmem:s4], [sflag:$0x1] =	stream.linear.gather [hbm4b:s0+s2], $0x80, $0x38;
	[tilespmem:$0x10200] =	vst v63  }
0x138: {  	s7 =	spop (v2sf);
	(v2sf) =	vpush v0, $0xE  }
0x139: {  	s0 =	sand.u32 $0x1FFFFFF0, s5  }
0x13a: {  	s6 =	sadd.s32 $0x480, s11;
	s0 =	sadd.s32 s3, s0;
	s9 =	spop (v2sf)  }
0x13b: {  	(v2sf) =	vpush v0, $0xF;
	[tilespmem:s6], [sflag:$0x1] =	stream.linear.gather [hbm4b:s0+s2], $0x80, $0x38;
	[tilespmem:$0x10200] =	vst v63  }
0x13c: {  	s0 =	sand.u32 $0x1FFFFFF0, s7  }
0x13d: {  	s8 =	sadd.s32 $0x500, s11;
	s0 =	sadd.s32 s3, s0  }
0x13e: {  	[tilespmem:s8], [sflag:$0x1] =	stream.linear.gather [hbm4b:s0+s2], $0x80, $0x38;
	[tilespmem:$0x10200] =	vst v63  }
0x13f: {  	s0 =	sand.u32 $0x1FFFFFF0, s9  }
0x140: {  	s10 =	sadd.s32 $0x580, s11;
	s12 =	spop (v2sf);
	s0 =	sadd.s32 s3, s0  }
0x141: {  	[tilespmem:s10], [sflag:$0x1] =	stream.linear.gather [hbm4b:s0+s2], $0x80, $0x38;
	[tilespmem:$0x10200] =	vst v63  }
0x142: {  	s0 =	sand.u32 $0x1FFFFFF0, s12  }
0x143: {  	s13 =	sadd.s32 $0x600, s11;
	s0 =	sadd.s32 s3, s0  }
0x144: {  	[tilespmem:s13], [sflag:$0x1] =	stream.linear.gather [hbm4b:s0+s2], $0x80, $0x38;
	[tilespmem:$0x10200] =	vst v63  }
0x145: {  	s14 =	spop (v2sf)  }
0x146: {  	s0 =	sand.u32 $0x1FFFFFF0, s14  }
0x147: {  	s15 =	sadd.s32 $0x680, s11;
	s16 =	spop (v2sf);
	s0 =	sadd.s32 s3, s0  }
0x148: {  	[tilespmem:s15], [sflag:$0x1] =	stream.linear.gather [hbm4b:s0+s2], $0x80, $0x38;
	[tilespmem:$0x10200] =	vst v63  }
0x149: {  	s0 =	sand.u32 $0x1FFFFFF0, s16  }
0x14a: {  	s17 =	sadd.s32 $0x700, s11;
	s18 =	spop (v2sf);
	s0 =	sadd.s32 s3, s0  }
0x14b: {  	[tilespmem:s17], [sflag:$0x1] =	stream.linear.gather [hbm4b:s0+s2], $0x80, $0x38;
	[tilespmem:$0x10200] =	vst v63  }
0x14c: {  	s0 =	sand.u32 $0x1FFFFFF0, s18  }
0x14d: {  	s19 =	sadd.s32 $0x780, s11;
	s0 =	sadd.s32 s3, s0  }
0x14e: {  	[tilespmem:s19], [sflag:$0x1] =	stream.linear.gather [hbm4b:s0+s2], $0x80, $0x38;
	[tilespmem:$0x10200] =	vst v63  }
0x14f: {  	v63 =	vld [tilespmem:s22+$0x10];
	_ =	sdelay $0x4  }
0x150: {  	v0 =	vshll.u32 v63, $0x4  }
0x151: {  	(v2sf) =	vpush v0, $0x0;
	_ =	sdelay $0x1  }
0x152: {  	(v2sf) =	vpush v0, $0x1;
	_ =	sdelay $0x1  }
0x153: {  	(v2sf) =	vpush v0, $0x2;
	_ =	sdelay $0x2  }
0x154: {  	(v2sf) =	vpush v0, $0x3;
	_ =	sdelay $0x7  }
0x155: {  	s20 =	spop (v2sf);
	(v2sf) =	vpush v0, $0x4;
	_ =	sdelay $0x1  }
0x156: {  	s22 =	spop (v2sf);
	(v2sf) =	vpush v0, $0x5;
	_ =	sdelay $0x1  }
0x157: {  	s25 =	spop (v2sf);
	(v2sf) =	vpush v0, $0x6;
	_ =	sdelay $0x1  }
0x158: {  	s0 =	sand.u32 $0x1FFFFFF0, s20  }
0x159: {  	s21 =	sadd.s32 $0x800, s11;
	s0 =	sadd.s32 s3, s0;
	s28 =	spop (v2sf);
	(v2sf) =	vpush v0, $0x7  }
0x15a: {  	[tilespmem:s21], [sflag:$0x1] =	stream.linear.gather [hbm4b:s0+s2], $0x80, $0x38;
	[tilespmem:$0x10200] =	vst v63  }
0x15b: {  	s0 =	sand.u32 $0x1FFFFFF0, s22  }
0x15c: {  	s23 =	sadd.s32 $0x880, s11;
	s0 =	sadd.s32 s3, s0  }
0x15d: {  	[tilespmem:s23], [sflag:$0x1] =	stream.linear.gather [hbm4b:s0+s2], $0x80, $0x38;
	[tilespmem:$0x10200] =	vst v63  }
0x15e: {  	s0 =	sand.u32 $0x1FFFFFF0, s25  }
0x15f: {  	s26 =	sadd.s32 $0x900, s11;
	s0 =	sadd.s32 s3, s0  }
0x160: {  	[tilespmem:s26], [sflag:$0x1] =	stream.linear.gather [hbm4b:s0+s2], $0x80, $0x38;
	[tilespmem:$0x10200] =	vst v63  }
0x161: {  	s30 =	spop (v2sf);
	(v2sf) =	vpush v0, $0x8  }
0x162: {  	s0 =	sand.u32 $0x1FFFFFF0, s28  }
0x163: {  	s29 =	sadd.s32 $0x980, s11;
	s0 =	sadd.s32 s3, s0;
	s4 =	spop (v2sf);
	(v2sf) =	vpush v0, $0x9  }
0x164: {  	[tilespmem:s29], [sflag:$0x1] =	stream.linear.gather [hbm4b:s0+s2], $0x80, $0x38;
	[tilespmem:$0x10200] =	vst v63  }
0x165: {  	s0 =	sand.u32 $0x1FFFFFF0, s30;
	s6 =	spop (v2sf);
	(v2sf) =	vpush v0, $0xA  }
0x166: {  	s31 =	sadd.s32 $0xA00, s11;
	s0 =	sadd.s32 s3, s0  }
0x167: {  	[tilespmem:s31], [sflag:$0x1] =	stream.linear.gather [hbm4b:s0+s2], $0x80, $0x38;
	[tilespmem:$0x10200] =	vst v63  }
0x168: {  	s8 =	spop (v2sf);
	(v2sf) =	vpush v0, $0xB  }
0x169: {  	s0 =	sand.u32 $0x1FFFFFF0, s4  }
0x16a: {  	s5 =	sadd.s32 $0xA80, s11;
	s0 =	sadd.s32 s3, s0  }
0x16b: {  	[tilespmem:s5], [sflag:$0x1] =	stream.linear.gather [hbm4b:s0+s2], $0x80, $0x38;
	[tilespmem:$0x10200] =	vst v63  }
0x16c: {  	s0 =	sand.u32 $0x1FFFFFF0, s6  }
0x16d: {  	s7 =	sadd.s32 $0xB00, s11;
	s0 =	sadd.s32 s3, s0  }
0x16e: {  	[tilespmem:s7], [sflag:$0x1] =	stream.linear.gather [hbm4b:s0+s2], $0x80, $0x38;
	[tilespmem:$0x10200] =	vst v63  }
0x16f: {  	s0 =	sand.u32 $0x1FFFFFF0, s8  }
0x170: {  	s9 =	sadd.s32 $0xB80, s11;
	s0 =	sadd.s32 s3, s0;
	s10 =	spop (v2sf);
	(v2sf) =	vpush v0, $0xC  }
0x171: {  	[tilespmem:s9], [sflag:$0x1] =	stream.linear.gather [hbm4b:s0+s2], $0x80, $0x38;
	[tilespmem:$0x10200] =	vst v63  }
0x172: {  	s13 =	spop (v2sf);
	(v2sf) =	vpush v0, $0xD  }
0x173: {  	s0 =	sand.u32 $0x1FFFFFF0, s10  }
0x174: {  	s12 =	sadd.s32 $0xC00, s11;
	s0 =	sadd.s32 s3, s0;
	s15 =	spop (v2sf)  }
0x175: {  	(v2sf) =	vpush v0, $0xE;
	[tilespmem:s12], [sflag:$0x1] =	stream.linear.gather [hbm4b:s0+s2], $0x80, $0x38;
	[tilespmem:$0x10200] =	vst v63  }
0x176: {  	s0 =	sand.u32 $0x1FFFFFF0, s13  }
0x177: {  	s14 =	sadd.s32 $0xC80, s11;
	s17 =	spop (v2sf);
	s0 =	sadd.s32 s3, s0  }
0x178: {  	(v2sf) =	vpush v0, $0xF;
	[tilespmem:s14], [sflag:$0x1] =	stream.linear.gather [hbm4b:s0+s2], $0x80, $0x38;
	[tilespmem:$0x10200] =	vst v63  }
0x179: {  	s0 =	sand.u32 $0x1FFFFFF0, s15  }
0x17a: {  	s16 =	sadd.s32 $0xD00, s11;
	s0 =	sadd.s32 s3, s0  }
0x17b: {  	[tilespmem:s16], [sflag:$0x1] =	stream.linear.gather [hbm4b:s0+s2], $0x80, $0x38;
	[tilespmem:$0x10200] =	vst v63  }
0x17c: {  	s0 =	sand.u32 $0x1FFFFFF0, s17  }
0x17d: {  	s18 =	sadd.s32 $0xD80, s11;
	s0 =	sadd.s32 s3, s0  }
0x17e: {  	[tilespmem:s18], [sflag:$0x1] =	stream.linear.gather [hbm4b:s0+s2], $0x80, $0x38;
	[tilespmem:$0x10200] =	vst v63  }
0x17f: {  	s19 =	spop (v2sf)  }
0x180: {  	s0 =	sand.u32 $0x1FFFFFF0, s19  }
0x181: {  	s20 =	sadd.s32 $0xE00, s11;
	s21 =	spop (v2sf);
	s0 =	sadd.s32 s3, s0  }
0x182: {  	[tilespmem:s20], [sflag:$0x1] =	stream.linear.gather [hbm4b:s0+s2], $0x80, $0x38;
	[tilespmem:$0x10200] =	vst v63  }
0x183: {  	s0 =	sand.u32 $0x1FFFFFF0, s21  }
0x184: {  	s22 =	spop (v2sf);
	s0 =	sadd.s32 s3, s0  }
0x185: {  	[tilespmem:s24], [sflag:$0x1] =	stream.linear.gather [hbm4b:s0+s2], $0x80, $0x38;
	[tilespmem:$0x10200] =	vst v63  }
0x186: {  	s0 =	sand.u32 $0x1FFFFFF0, s22  }
0x187: {  	s23 =	sadd.s32 $0xF00, s11;
	s24 =	spop (v2sf);
	s0 =	sadd.s32 s3, s0  }
0x188: {  	[tilespmem:s23], [sflag:$0x1] =	stream.linear.gather [hbm4b:s0+s2], $0x80, $0x38;
	[tilespmem:$0x10200] =	vst v63  }
0x189: {  	s0 =	sand.u32 $0x1FFFFFF0, s24  }
0x18a: {  	s25 =	sadd.s32 $0xF80, s11;
	s26 =	simm.s32 $0x1;
	s0 =	sadd.s32 s3, s0  }
0x18b: {  	[tilespmem:s25], [sflag:$0x1] =	stream.linear.gather [hbm4b:s0+s2], $0x80, $0x38;
	[tilespmem:$0x10200] =	vst v63  }
0x18c: {  	_ =	swait.ge [sflag:s26], $0x10000  }
0x18d: {  	s1 =	simm.s32 $0x2;
	[sflag:s26] =	ssyncset.done $0x0  }
0x18e: {  	s29 =	simm.s32 $0x200;
	s28 =	rddreg [dreg:$0x9];
	[sflag:s26] =	ssyncadd.s32 $0xFFFF0000  }
0x18f: {  	[hbm4b:s28+s2] =	stream.linear.scatter [tilespmem:s29], [sflag:$0x2], $0x10000, $0x38;
	[tilespmem:$0x10200] =	vst v63  }
0x190: {  	_ =	swait.ge [sflag:s1], $0x10000  }
0x191: {  	s30 =	rddreg [dreg:$0xb]  }
0x192: {  	s31 =	rddreg [dreg:$0xa];
	s4 =	sadd.s32 $0x1, s30  }
0x193: {  	p0 =	sne.s32 s4, s31  }
.Ltmp1:
0x194: {  	_ = 	snop;
	(pc) =	sbr.rel @p0 .LBB2_1-.Ltmp1, $3  }
0x195: {  	_ =	sdelay $0x1  }
0x196: {  	[sflag:s1] =	ssyncset.done $0x0  }
0x197: {  	[sflag:s1] =	ssyncadd.s32 $0xFFFF0000  }
0x198: {  	_ =	sfence.sel $0x180000  }
0x199: {  	[bflag:$0x0] =	sbarrier.arrive $0xFFFF  }
0x19a: {  	_ =	strace $0x90000047  }
0x19b: {  	s0 =	stileid.u32;
	[bflag:$0x2] =	sbarrier.arrive $0xFFFF  }
0x19c: {  	p0 =	sne.s32 s0, $0x0;
	s0 =	rddreg [dreg:$0x2]  }
0x19d: {  	s0 =	sadd.s32 @!p0 $0x100000, s0  }
0x19e: {  	[sflag:s0] =	ssyncadd.tile.s32 @!p0 $0x1;
	_ =	shalt  }
.Lfunc_end2:
_tile_overlayer_lowered:
.L_overlay_start_2:
0x19f: {  	(tag) =	ssettag $0x2  }
0x1a0: {  	s0 =	rddreg [dreg:$0x0];
	s2 =	stileid.u32  }
0x1a1: {  	s1 =	rddreg [dreg:$0x1];
	p0 =	sne.s32 s2, $0x0  }
0x1a2: {  	s3 =	rddreg [dreg:$0x2];
	[bflag:$0x3] =	sbarrier.arrive $0xFFFF;
	s2 =	simm.s32 @!p0 $0x1C02  }
0x1a3: {  	[timem:s3], [sflag:s2] =	dma.local @!p0 [hbm:s0], s1  }
0x1a4: {  	s0 =	simm.s32 @!p0 $0x2  }
0x1a5: {  	_ =	swait.ge @!p0 [sflag:s0], s1  }
0x1a6: {  	s1 =	ssub.s32 @!p0 $0x0, s1;
	[sflag:s0] =	ssyncset.done @!p0 $0x0  }
0x1a7: {  	[sflag:s0] =	ssyncadd.s32 @!p0 s1  }
0x1a8: {  	[bflag:$0x3] =	sbarrier.arrive $0xFFFF  }
0x1a9: {  	_ =	shalt  }

</sc_bundles>
